<compile_context>
chip_gen: v7x
topology: tpu7x:2x2x1
jax: 0.10.2.dev20260603
libtpu: 0.0.44.dev20260713+nightly
codegen_flags: <defaults>
</compile_context>

<pallas_src>
import functools

import jax
import jax.numpy as jnp
from jax import lax
from jax.experimental import pallas as pl
from jax.experimental.pallas import tpu as pltpu
from jax.experimental.pallas import tpu_sc as plsc

_T, _D, _E, _C = 8192, 768, 64, 320
_DFF, _DFFS = 256, 1024
_XE_ROWS = (_E + 1) * _C
_DUMP = _E * _C
_NC, _NS = 2, 16
_NW = _NC * _NS
_TPW = _T // _NW
_CHUNK = 64
_RB = 2048
_TB = 512


def _router_body(x_ref, wr_ref, idx_ref, gates_ref, xp_ref, carry_ref):
    i = pl.program_id(0)

    @pl.when(i == 0)
    def _init():
        carry_ref[...] = jnp.zeros_like(carry_ref)

    x = x_ref[...]
    w = wr_ref[...]

    logits = lax.dot_general(x, w, (((1,), (1,)), ((), ())))
    m1 = jnp.max(logits, axis=1, keepdims=True)
    lane = lax.broadcasted_iota(jnp.int32, (_RB, _E), 1)
    i1 = jnp.min(jnp.where(logits == m1, lane, _E), axis=1, keepdims=True)
    masked = jnp.where(lane == i1, -jnp.inf, logits)
    m2 = jnp.max(masked, axis=1, keepdims=True)
    g0 = jax.nn.sigmoid(m1 - m2)
    g1 = jax.nn.sigmoid(m2 - m1)
    gates_ref[...] = jnp.concatenate([g0, g1], axis=1)

    lt = lax.dot_general(w, x, (((1,), (1,)), ((), ())))
    sub = lax.broadcasted_iota(jnp.int32, (_E, _RB), 0)
    m1t = jnp.max(lt, axis=0, keepdims=True)
    i1t = jnp.min(jnp.where(lt == m1t, sub, _E), axis=0, keepdims=True)
    oh0 = (sub == i1t).astype(jnp.float32)
    maskedt = jnp.where(oh0 > 0, -jnp.inf, lt)
    m2t = jnp.max(maskedt, axis=0, keepdims=True)
    i2t = jnp.min(jnp.where(maskedt == m2t, sub, _E), axis=0, keepdims=True)
    oh1 = (sub == i2t).astype(jnp.float32)

    contrib = oh0 + oh1
    r = lax.broadcasted_iota(jnp.int32, (_RB, _RB), 0)
    c = lax.broadcasted_iota(jnp.int32, (_RB, _RB), 1)
    striu = (r < c).astype(jnp.float32)
    excl = lax.dot_general(contrib, striu, (((1,), (0,)), ((), ())))
    excl = excl + carry_ref[...]
    carry_ref[...] = carry_ref[...] + jnp.sum(contrib, axis=1, keepdims=True)

    p0 = jnp.sum(excl * oh0, axis=0, keepdims=True)
    p1 = jnp.sum(excl * oh1, axis=0, keepdims=True)
    slot0 = i1t.astype(jnp.float32) * _C + p0
    slot1 = i2t.astype(jnp.float32) * _C + p1
    s0 = jnp.where(p0 < _C, slot0, float(_DUMP)).astype(jnp.int32)
    s1 = jnp.where(p1 < _C, slot1, float(_DUMP)).astype(jnp.int32)
    idx_ref[...] = jnp.concatenate([s0, s1], axis=0)

    xb = x.astype(_BF)
    lo = lax.bitcast_convert_type(xb[:, :_D // 2], jnp.uint16)
    hi = lax.bitcast_convert_type(xb[:, _D // 2:], jnp.uint16)
    xp_ref[...] = lo.astype(jnp.uint32) | (hi.astype(jnp.uint32) << 16)


_router = pl.pallas_call(
    _router_body,
    grid=(_T // _RB,),
    in_specs=[
        pl.BlockSpec((_RB, _D), lambda i: (i, 0)),
        pl.BlockSpec((_E, _D), lambda i: (0, 0)),
    ],
    out_specs=[
        pl.BlockSpec((2, _RB), lambda i: (0, i)),
        pl.BlockSpec((_RB, 2), lambda i: (i, 0)),
        pl.BlockSpec((_RB, _D // 2), lambda i: (i, 0)),
    ],
    out_shape=[
        jax.ShapeDtypeStruct((2, _T), jnp.int32),
        jax.ShapeDtypeStruct((_T, 2), jnp.float32),
        jax.ShapeDtypeStruct((_T, _D // 2), jnp.uint32),
    ],
    scratch_shapes=[pltpu.VMEM((_E, 1), jnp.float32)],
)


@functools.cache
def _make_dispatch():
    mesh = plsc.VectorSubcoreMesh(
        core_axis_name="c", subcore_axis_name="s",
        num_cores=_NC, num_subcores=_NS)

    @functools.partial(
        pl.kernel,
        out_type=jax.ShapeDtypeStruct((_XE_ROWS, _D // 2), jnp.uint32),
        mesh=mesh,
        scratch_types=[
            pltpu.VMEM((_CHUNK, _D // 2), jnp.uint32),
            pltpu.VMEM((_CHUNK, _D // 2), jnp.uint32),
            pltpu.VMEM((_CHUNK,), jnp.int32),
            pltpu.VMEM((_CHUNK,), jnp.int32),
            pltpu.VMEM((_CHUNK,), jnp.int32),
            pltpu.VMEM((_CHUNK,), jnp.int32),
            pltpu.SemaphoreType.DMA,
            pltpu.SemaphoreType.DMA,
        ],
    )
    def dispatch(xp_hbm, idx_hbm, xe_hbm,
                 xv0, xv1, d0v0, d0v1, d1v0, d1v1, lsem, ssem):
        wid = lax.axis_index("s") * _NC + lax.axis_index("c")
        base = wid * _TPW
        bufs = ((xv0, d0v0, d1v0), (xv1, d0v1, d1v1))
        nch = _TPW // _CHUNK

        def start_loads(ci, xvb, d0b, d1b):
            off = base + ci * _CHUNK
            return (
                pltpu.async_copy(xp_hbm.at[pl.ds(off, _CHUNK)], xvb, lsem),
                pltpu.async_copy(idx_hbm.at[0, pl.ds(off, _CHUNK)], d0b, lsem),
                pltpu.async_copy(idx_hbm.at[1, pl.ds(off, _CHUNK)], d1b, lsem),
            )

        pend = start_loads(0, *bufs[0])
        prev = None
        for ci in range(nch):
            for d in pend:
                d.wait()
            if prev is not None:
                for d in prev:
                    d.wait()
            xvb, d0b, d1b = bufs[ci % 2]
            scat = (pltpu.async_copy(xvb, xe_hbm.at[d0b], ssem),
                    pltpu.async_copy(xvb, xe_hbm.at[d1b], ssem))
            if ci + 1 < nch:
                pend = start_loads(ci + 1, *bufs[(ci + 1) % 2])
            prev = scat
        for d in prev:
            d.wait()

    return dispatch


_DN = (((1,), (1,)), ((), ()))
_F32 = jnp.float32
_BF = jnp.bfloat16


def _unpack_bf16_pair_bf(p):
    lo = lax.bitcast_convert_type((p & 0xFFFF).astype(jnp.uint16), _BF)
    hi = lax.bitcast_convert_type((p >> 16).astype(jnp.uint16), _BF)
    return jnp.concatenate([lo, hi], axis=1)


def _expert_body(xe_ref, w1_ref, w3_ref, w2_ref, yg_ref):
    e = pl.program_id(0)

    @pl.when(e < _E)
    def _compute():
        xe = _unpack_bf16_pair_bf(xe_ref[...])
        a = lax.dot_general(xe, w1_ref[0].astype(_BF), _DN,
                            preferred_element_type=_F32)
        b = lax.dot_general(xe, w3_ref[0].astype(_BF), _DN,
                            preferred_element_type=_F32)
        h = (a * jax.nn.sigmoid(a)) * b
        y = lax.dot_general(h.astype(_BF), w2_ref[0].astype(_BF), _DN,
                            preferred_element_type=_F32)
        yb = y.astype(_BF)
        lo = lax.bitcast_convert_type(yb[:, :_D // 2], jnp.uint16)
        hi = lax.bitcast_convert_type(yb[:, _D // 2:], jnp.uint16)
        yg_ref[...] = lo.astype(jnp.uint32) | (hi.astype(jnp.uint32) << 16)

    @pl.when(e == _E)
    def _zero():
        yg_ref[...] = jnp.zeros_like(yg_ref)


_experts = pl.pallas_call(
    _expert_body,
    grid=(_E + 1,),
    in_specs=[
        pl.BlockSpec((_C, _D // 2), lambda e: (e, 0)),
        pl.BlockSpec((1, _DFF, _D), lambda e: (jnp.minimum(e, _E - 1), 0, 0)),
        pl.BlockSpec((1, _DFF, _D), lambda e: (jnp.minimum(e, _E - 1), 0, 0)),
        pl.BlockSpec((1, _D, _DFF), lambda e: (jnp.minimum(e, _E - 1), 0, 0)),
    ],
    out_specs=pl.BlockSpec((_C, _D // 2), lambda e: (e, 0)),
    out_shape=jax.ShapeDtypeStruct((_XE_ROWS, _D // 2), jnp.uint32),
)


@functools.cache
def _make_combine_gather():
    mesh = plsc.VectorSubcoreMesh(
        core_axis_name="c", subcore_axis_name="s",
        num_cores=_NC, num_subcores=_NS)

    @functools.partial(
        pl.kernel,
        out_type=(
            jax.ShapeDtypeStruct((_T, _D // 2), jnp.uint32),
            jax.ShapeDtypeStruct((_T, _D // 2), jnp.uint32),
        ),
        mesh=mesh,
        scratch_types=[
            pltpu.VMEM((_CHUNK, _D // 2), jnp.uint32),
            pltpu.VMEM((_CHUNK,), jnp.int32),
            pltpu.SemaphoreType.DMA,
        ],
    )
    def combine(yg_hbm, idx_hbm, y0_hbm, y1_hbm, rows, idxv, sem):
        wid = lax.axis_index("s") * _NC + lax.axis_index("c")
        base = wid * _TPW

        def body(ci, carry):
            off = base + ci * _CHUNK
            pltpu.sync_copy(idx_hbm.at[0, pl.ds(off, _CHUNK)], idxv)
            pltpu.async_copy(yg_hbm.at[idxv], rows, sem).wait()
            pltpu.sync_copy(rows, y0_hbm.at[pl.ds(off, _CHUNK)])
            pltpu.sync_copy(idx_hbm.at[1, pl.ds(off, _CHUNK)], idxv)
            pltpu.async_copy(yg_hbm.at[idxv], rows, sem).wait()
            pltpu.sync_copy(rows, y1_hbm.at[pl.ds(off, _CHUNK)])
            return carry

        lax.fori_loop(0, _TPW // _CHUNK, body, 0)

    return combine


def _shared_body(xp_ref, ws1_ref, ws3_ref, ws2_ref, sh_ref):
    x = _unpack_bf16_pair_bf(xp_ref[...])
    a = lax.dot_general(x, ws1_ref[...].astype(_BF), _DN,
                        preferred_element_type=_F32)
    b = lax.dot_general(x, ws3_ref[...].astype(_BF), _DN,
                        preferred_element_type=_F32)
    hs = (a * jax.nn.sigmoid(a)) * b
    shared = lax.dot_general(hs.astype(_BF), ws2_ref[...].astype(_BF), _DN,
                             preferred_element_type=_F32)
    sh_ref[...] = shared.astype(_BF)


_STB = 1024
_NBA = 6
_SBA = _NBA * _TB // _STB


def _make_shared(nblocks, block_off):
    return pl.pallas_call(
        _shared_body,
        grid=(nblocks,),
        in_specs=[
            pl.BlockSpec((_STB, _D // 2), lambda i: (i + block_off, 0)),
            pl.BlockSpec((_DFFS, _D), lambda i: (0, 0)),
            pl.BlockSpec((_DFFS, _D), lambda i: (0, 0)),
            pl.BlockSpec((_D, _DFFS), lambda i: (0, 0)),
        ],
        out_specs=pl.BlockSpec((_STB, _D), lambda i: (i, 0)),
        out_shape=jax.ShapeDtypeStruct((nblocks * _STB, _D), jnp.bfloat16),
    )


_shared_a = _make_shared(_SBA, 0)
_shared_b = _make_shared(_T // _STB - _SBA, _SBA)


def _unpack_bf16_pair(p):
    lo = lax.bitcast_convert_type((p & 0xFFFF).astype(jnp.uint16), _BF)
    hi = lax.bitcast_convert_type((p >> 16).astype(jnp.uint16), _BF)
    return jnp.concatenate([lo, hi], axis=1).astype(_F32)


def _final_body(sha_ref, shb_ref, y0_ref, y1_ref, gates_ref, out_ref):
    i = pl.program_id(0)
    y0 = _unpack_bf16_pair(y0_ref[...])
    y1 = _unpack_bf16_pair(y1_ref[...])
    g0 = gates_ref[:, 0:1]
    g1 = gates_ref[:, 1:2]
    sh = jnp.where(i < _NBA, sha_ref[...], shb_ref[...]).astype(_F32)
    out_ref[...] = sh + g0 * y0 + g1 * y1


_final = pl.pallas_call(
    _final_body,
    grid=(_T // _TB,),
    in_specs=[
        pl.BlockSpec((_TB, _D), lambda i: (jnp.minimum(i, _NBA - 1), 0)),
        pl.BlockSpec((_TB, _D), lambda i: (jnp.maximum(i - _NBA, 0), 0)),
        pl.BlockSpec((_TB, _D // 2), lambda i: (i, 0)),
        pl.BlockSpec((_TB, _D // 2), lambda i: (i, 0)),
        pl.BlockSpec((_TB, 2), lambda i: (i, 0)),
    ],
    out_specs=pl.BlockSpec((_TB, _D), lambda i: (i, 0)),
    out_shape=jax.ShapeDtypeStruct((_T, _D), jnp.float32),
)


def kernel(x, W_router, w1, w2, w3, ws1, ws2, ws3):
    idx_t, gates, xp = _router(x, W_router)
    xe = _make_dispatch()(xp, idx_t)
    sh_a = _shared_a(xp, ws1, ws3, ws2)
    xe, sh_a = lax.optimization_barrier((xe, sh_a))
    yg = _experts(xe, w1, w3, w2)
    y0, y1 = _make_combine_gather()(yg, idx_t)
    xp_b, _ = lax.optimization_barrier((xp, yg))
    sh_b = _shared_b(xp_b, ws1, ws3, ws2)
    return _final(sh_a, sh_b, y0, y1, gates)

# --- scband reference (transcript-rebuilt; emitter-appended) ---
"""Pipeline reference for scband-stock-transformer-model-49890340111096 (READ-ONLY COPY).

The authoritative reference and input builder live on the scoring server;
editing this copy changes nothing except your own understanding.
"""

import jax, jax.numpy as jnp
import numpy as np

NUM_EXPERTS = 64
TOP_K = 2
CAPACITY = 320  # ceil(T*k/E)=256, capacity factor 1.25
T, D, DFF, DFFS = 8192, 768, 256, 1024


def setup_inputs(seed: int = 0) -> dict:
    key = jax.random.key(seed)
    ks = jax.random.split(key, 8)
    x = jax.random.normal(ks[0], (T, D), dtype=jnp.float32)
    W_router = jax.random.normal(ks[1], (NUM_EXPERTS, D), dtype=jnp.float32) * 0.02
    w1 = jax.random.normal(ks[2], (NUM_EXPERTS, DFF, D), dtype=jnp.float32) * (D ** -0.5)
    w3 = jax.random.normal(ks[3], (NUM_EXPERTS, DFF, D), dtype=jnp.float32) * (D ** -0.5)
    w2 = jax.random.normal(ks[4], (NUM_EXPERTS, D, DFF), dtype=jnp.float32) * (DFF ** -0.5)
    ws1 = jax.random.normal(ks[5], (DFFS, D), dtype=jnp.float32) * (D ** -0.5)
    ws3 = jax.random.normal(ks[6], (DFFS, D), dtype=jnp.float32) * (D ** -0.5)
    ws2 = jax.random.normal(ks[7], (D, DFFS), dtype=jnp.float32) * (DFFS ** -0.5)
    return {"x": x, "W_router": W_router, "w1": w1, "w2": w2, "w3": w3,
            "ws1": ws1, "ws2": ws2, "ws3": ws3}


def reference(x, W_router, w1, w2, w3, ws1, ws2, ws3):
    Ttok, d = x.shape
    E, k, C = NUM_EXPERTS, TOP_K, CAPACITY
    # --- router: softmax over experts, top-k selection, renormalized gates ---
    logits = x @ W_router.T                      # [T, E]
    probs = jax.nn.softmax(logits, axis=-1)
    topv, topi = jax.lax.top_k(probs, k)         # [T, k]
    topv = topv / jnp.sum(topv, axis=-1, keepdims=True)
    expert_ids = topi.reshape(-1)                # [T*k]
    gates = topv.reshape(-1)                     # [T*k]
    token_ids = jnp.repeat(jnp.arange(Ttok, dtype=jnp.int32), k)  # [T*k]
    # --- capacity-based dispatch (scatter token ids into [E, C] slots) ---
    onehot = jax.nn.one_hot(expert_ids, E, dtype=jnp.int32)       # [T*k, E]
    pos_in_expert = jnp.sum(jnp.cumsum(onehot, axis=0) * onehot, axis=-1) - 1
    keep = pos_in_expert < C
    pos_clip = jnp.clip(pos_in_expert, 0, C - 1)
    safe_e = jnp.where(keep, expert_ids, E)      # OOB expert id -> dropped
    idx = jnp.full((E, C), Ttok, dtype=jnp.int32).at[safe_e, pos_clip].set(token_ids, mode='drop')
    gate_tab = jnp.zeros((E, C), dtype=x.dtype).at[safe_e, pos_clip].set(gates, mode='drop')
    # --- gather tokens per expert, run SwiGLU expert MLPs ---
    x_pad = jnp.concatenate([x, jnp.zeros((1, d), dtype=x.dtype)], axis=0)
    xe = x_pad[idx]                              # [E, C, d]
    h = jax.nn.silu(jnp.einsum('ecd,efd->ecf', xe, w1)) * jnp.einsum('ecd,efd->ecf', xe, w3)
    ye = jnp.einsum('ecf,edf->ecd', h, w2)       # [E, C, d]
    ye = ye * gate_tab[..., None]
    # --- combine: scatter-add expert outputs back to tokens ---
    out = jnp.zeros((Ttok + 1, d), dtype=x.dtype).at[idx.reshape(-1)].add(ye.reshape(-1, d))[:Ttok]
    # --- shared expert (always-on SwiGLU) ---
    hs = jax.nn.silu(x @ ws1.T) * (x @ ws3.T)
    out = out + hs @ ws2.T
    return out


if False:  # reference __main__ guard neutralized (emitter)
    inp = setup_inputs()
    y = reference(**inp)
    print(y.shape, y.dtype)

if __name__ == "__main__":
    import jax
    _d = setup_inputs()
    print(jax.jit(kernel)(*tuple(_d.values())))

</pallas_src>

<mosaic_0001>
#map = affine_map<(d0, d1) -> (0, 0)>
module attributes {stable_mosaic.version = 14 : i64} {
  func.func @combine(%arg0: i32, %arg1: i32, %arg2: memref<20800x384xi32, #tpu.memory_space<hbm>>, %arg3: memref<2x8192xi32, #tpu.memory_space<hbm>>, %arg4: memref<8192x384xi32, #tpu.memory_space<hbm>>, %arg5: memref<8192x384xi32, #tpu.memory_space<hbm>>, %arg6: memref<64x384xi32, #tpu.memory_space<vmem>>, %arg7: memref<64xi32, #tpu.memory_space<vmem>>, %arg8: memref<!tpu.dma_semaphore, #tpu.memory_space<semaphore_mem>>) attributes {dimension_semantics = [#tpu.dimension_semantics<core_parallel>, #tpu.dimension_semantics<subcore_parallel>], iteration_bounds = array<i64: 2, 16>, scalar_prefetch = 0 : i64, scratch_operands = 3 : i64, tpu.core_type = #tpu.core_type<sc_vector_subcore>, window_params = [{transform_indices = #map}, {transform_indices = #map}, {transform_indices = #map}, {transform_indices = #map}]} {
    %mul3A = arith.constant 2 : i32
    %mul3A_0 = arith.muli %arg1, %mul3A : i32
    %add3A = arith.addi %mul3A_0, %arg0 : i32
    %mul3A_1 = arith.constant 256 : i32
    %mul3A_2 = arith.muli %add3A, %mul3A_1 : i32
    %scan3A = arith.constant 0 : i32
    %scan3A_3 = arith.constant 0 : i32
    %scan3A_4 = arith.constant 4 : i32
    %scan3A_5 = arith.addi %scan3A_3, %scan3A_4 : i32
    %scan3A_6 = arith.constant 1 : i32
    scf.for %scan3A_8 = %scan3A_3 to %scan3A_5 step %scan3A_6  : i32 {
      %mul3A_9 = arith.constant 64 : i32
      %mul3A_10 = arith.muli %scan3A_8, %mul3A_9 : i32
      %add3A_11 = arith.addi %mul3A_2, %mul3A_10 : i32
      %run_scoped3A = arith.constant 0 : i32
      "tpu.region"() ({
        %run_scoped3A_23 = tpu.sem_alloc : memref<!tpu.dma_semaphore, #tpu.memory_space<semaphore_mem>>
        %dma_start3A_24 = tpu.memref_slice %arg3[%run_scoped3A, %add3A_11] : memref<2x8192xi32, #tpu.memory_space<hbm>> -> memref<1x64xi32, #tpu.memory_space<hbm>>
        %dma_start3A_25 = tpu.memref_squeeze %dma_start3A_24 : memref<1x64xi32, #tpu.memory_space<hbm>> -> memref<64xi32, #tpu.memory_space<hbm>>
        %dma_start3A_26 = tpu.memref_slice %arg3[%run_scoped3A, %add3A_11] : memref<2x8192xi32, #tpu.memory_space<hbm>> -> memref<1x64xi32, #tpu.memory_space<hbm>>
        %dma_start3A_27 = tpu.memref_squeeze %dma_start3A_26 : memref<1x64xi32, #tpu.memory_space<hbm>> -> memref<64xi32, #tpu.memory_space<hbm>>
        tpu.enqueue_dma source(%dma_start3A_27 : memref<64xi32, #tpu.memory_space<hbm>>) target(%arg7 : memref<64xi32, #tpu.memory_space<vmem>>) target_semaphore(%run_scoped3A_23 : memref<!tpu.dma_semaphore, #tpu.memory_space<semaphore_mem>>)
        %dma_wait3A_28 = tpu.memref_slice %arg3[%run_scoped3A, %add3A_11] : memref<2x8192xi32, #tpu.memory_space<hbm>> -> memref<1x64xi32, #tpu.memory_space<hbm>>
        %dma_wait3A_29 = tpu.memref_squeeze %dma_wait3A_28 : memref<1x64xi32, #tpu.memory_space<hbm>> -> memref<64xi32, #tpu.memory_space<hbm>>
        %dma_wait3A_30 = tpu.memref_slice %arg3[%run_scoped3A, %add3A_11] : memref<2x8192xi32, #tpu.memory_space<hbm>> -> memref<1x64xi32, #tpu.memory_space<hbm>>
        %dma_wait3A_31 = tpu.memref_squeeze %dma_wait3A_30 : memref<1x64xi32, #tpu.memory_space<hbm>> -> memref<64xi32, #tpu.memory_space<hbm>>
        tpu.wait_dma2 semaphore(%run_scoped3A_23 : memref<!tpu.dma_semaphore, #tpu.memory_space<semaphore_mem>>) src(%dma_wait3A_31 : memref<64xi32, #tpu.memory_space<hbm>>) dst(%arg7 : memref<64xi32, #tpu.memory_space<vmem>>)
        tpu.yield
      }) : () -> ()
      %dma_start3A = arith.constant 0 : i32
      %dma_start3A_12 = arith.constant 0 : i32
      %dma_start3A_13 = tpu.memref_slice %arg2[%dma_start3A, %dma_start3A_12] : memref<20800x384xi32, #tpu.memory_space<hbm>> -> memref<20800x384xi32, #tpu.memory_space<hbm>>
      tpu.enqueue_indirect_dma source(%dma_start3A_13 : memref<20800x384xi32, #tpu.memory_space<hbm>>) target(%arg6 : memref<64x384xi32, #tpu.memory_space<vmem>>) offsets(%arg7 : memref<64xi32, #tpu.memory_space<vmem>>) semaphore(%arg8 : memref<!tpu.dma_semaphore, #tpu.memory_space<semaphore_mem>>)
      %dma_wait3A = arith.constant 0 : i32
      %dma_wait3A_14 = arith.constant 0 : i32
      %dma_wait3A_15 = tpu.memref_slice %arg2[%dma_wait3A, %dma_wait3A_14] : memref<20800x384xi32, #tpu.memory_space<hbm>> -> memref<20800x384xi32, #tpu.memory_space<hbm>>
      tpu.wait_indirect_dma semaphore(%arg8 : memref<!tpu.dma_semaphore, #tpu.memory_space<semaphore_mem>>) src(%dma_wait3A_15 : memref<20800x384xi32, #tpu.memory_space<hbm>>) dst(%arg6 : memref<64x384xi32, #tpu.memory_space<vmem>>)
      "tpu.region"() ({
        %run_scoped3A_23 = tpu.sem_alloc : memref<!tpu.dma_semaphore, #tpu.memory_space<semaphore_mem>>
        %dma_start3A_24 = arith.constant 0 : i32
        %dma_start3A_25 = tpu.memref_slice %arg4[%add3A_11, %dma_start3A_24] : memref<8192x384xi32, #tpu.memory_space<hbm>> -> memref<64x384xi32, #tpu.memory_space<hbm>>
        %dma_start3A_26 = arith.constant 0 : i32
        %dma_start3A_27 = tpu.memref_slice %arg4[%add3A_11, %dma_start3A_26] : memref<8192x384xi32, #tpu.memory_space<hbm>> -> memref<64x384xi32, #tpu.memory_space<hbm>>
        tpu.enqueue_dma source(%arg6 : memref<64x384xi32, #tpu.memory_space<vmem>>) target(%dma_start3A_27 : memref<64x384xi32, #tpu.memory_space<hbm>>) target_semaphore(%run_scoped3A_23 : memref<!tpu.dma_semaphore, #tpu.memory_space<semaphore_mem>>)
        %dma_wait3A_28 = arith.constant 0 : i32
        %dma_wait3A_29 = tpu.memref_slice %arg4[%add3A_11, %dma_wait3A_28] : memref<8192x384xi32, #tpu.memory_space<hbm>> -> memref<64x384xi32, #tpu.memory_space<hbm>>
        %dma_wait3A_30 = arith.constant 0 : i32
        %dma_wait3A_31 = tpu.memref_slice %arg4[%add3A_11, %dma_wait3A_30] : memref<8192x384xi32, #tpu.memory_space<hbm>> -> memref<64x384xi32, #tpu.memory_space<hbm>>
        tpu.wait_dma2 semaphore(%run_scoped3A_23 : memref<!tpu.dma_semaphore, #tpu.memory_space<semaphore_mem>>) src(%arg6 : memref<64x384xi32, #tpu.memory_space<vmem>>) dst(%dma_wait3A_31 : memref<64x384xi32, #tpu.memory_space<hbm>>)
        tpu.yield
      }) : () -> ()
      %run_scoped3A_16 = arith.constant 1 : i32
      "tpu.region"() ({
        %run_scoped3A_23 = tpu.sem_alloc : memref<!tpu.dma_semaphore, #tpu.memory_space<semaphore_mem>>
        %dma_start3A_24 = tpu.memref_slice %arg3[%run_scoped3A_16, %add3A_11] : memref<2x8192xi32, #tpu.memory_space<hbm>> -> memref<1x64xi32, #tpu.memory_space<hbm>>
        %dma_start3A_25 = tpu.memref_squeeze %dma_start3A_24 : memref<1x64xi32, #tpu.memory_space<hbm>> -> memref<64xi32, #tpu.memory_space<hbm>>
        %dma_start3A_26 = tpu.memref_slice %arg3[%run_scoped3A_16, %add3A_11] : memref<2x8192xi32, #tpu.memory_space<hbm>> -> memref<1x64xi32, #tpu.memory_space<hbm>>
        %dma_start3A_27 = tpu.memref_squeeze %dma_start3A_26 : memref<1x64xi32, #tpu.memory_space<hbm>> -> memref<64xi32, #tpu.memory_space<hbm>>
        tpu.enqueue_dma source(%dma_start3A_27 : memref<64xi32, #tpu.memory_space<hbm>>) target(%arg7 : memref<64xi32, #tpu.memory_space<vmem>>) target_semaphore(%run_scoped3A_23 : memref<!tpu.dma_semaphore, #tpu.memory_space<semaphore_mem>>)
        %dma_wait3A_28 = tpu.memref_slice %arg3[%run_scoped3A_16, %add3A_11] : memref<2x8192xi32, #tpu.memory_space<hbm>> -> memref<1x64xi32, #tpu.memory_space<hbm>>
        %dma_wait3A_29 = tpu.memref_squeeze %dma_wait3A_28 : memref<1x64xi32, #tpu.memory_space<hbm>> -> memref<64xi32, #tpu.memory_space<hbm>>
        %dma_wait3A_30 = tpu.memref_slice %arg3[%run_scoped3A_16, %add3A_11] : memref<2x8192xi32, #tpu.memory_space<hbm>> -> memref<1x64xi32, #tpu.memory_space<hbm>>
        %dma_wait3A_31 = tpu.memref_squeeze %dma_wait3A_30 : memref<1x64xi32, #tpu.memory_space<hbm>> -> memref<64xi32, #tpu.memory_space<hbm>>
        tpu.wait_dma2 semaphore(%run_scoped3A_23 : memref<!tpu.dma_semaphore, #tpu.memory_space<semaphore_mem>>) src(%dma_wait3A_31 : memref<64xi32, #tpu.memory_space<hbm>>) dst(%arg7 : memref<64xi32, #tpu.memory_space<vmem>>)
        tpu.yield
      }) : () -> ()
      %dma_start3A_17 = arith.constant 0 : i32
      %dma_start3A_18 = arith.constant 0 : i32
      %dma_start3A_19 = tpu.memref_slice %arg2[%dma_start3A_17, %dma_start3A_18] : memref<20800x384xi32, #tpu.memory_space<hbm>> -> memref<20800x384xi32, #tpu.memory_space<hbm>>
      tpu.enqueue_indirect_dma source(%dma_start3A_19 : memref<20800x384xi32, #tpu.memory_space<hbm>>) target(%arg6 : memref<64x384xi32, #tpu.memory_space<vmem>>) offsets(%arg7 : memref<64xi32, #tpu.memory_space<vmem>>) semaphore(%arg8 : memref<!tpu.dma_semaphore, #tpu.memory_space<semaphore_mem>>)
      %dma_wait3A_20 = arith.constant 0 : i32
      %dma_wait3A_21 = arith.constant 0 : i32
      %dma_wait3A_22 = tpu.memref_slice %arg2[%dma_wait3A_20, %dma_wait3A_21] : memref<20800x384xi32, #tpu.memory_space<hbm>> -> memref<20800x384xi32, #tpu.memory_space<hbm>>
      tpu.wait_indirect_dma semaphore(%arg8 : memref<!tpu.dma_semaphore, #tpu.memory_space<semaphore_mem>>) src(%dma_wait3A_22 : memref<20800x384xi32, #tpu.memory_space<hbm>>) dst(%arg6 : memref<64x384xi32, #tpu.memory_space<vmem>>)
      "tpu.region"() ({
        %run_scoped3A_23 = tpu.sem_alloc : memref<!tpu.dma_semaphore, #tpu.memory_space<semaphore_mem>>
        %dma_start3A_24 = arith.constant 0 : i32
        %dma_start3A_25 = tpu.memref_slice %arg5[%add3A_11, %dma_start3A_24] : memref<8192x384xi32, #tpu.memory_space<hbm>> -> memref<64x384xi32, #tpu.memory_space<hbm>>
        %dma_start3A_26 = arith.constant 0 : i32
        %dma_start3A_27 = tpu.memref_slice %arg5[%add3A_11, %dma_start3A_26] : memref<8192x384xi32, #tpu.memory_space<hbm>> -> memref<64x384xi32, #tpu.memory_space<hbm>>
        tpu.enqueue_dma source(%arg6 : memref<64x384xi32, #tpu.memory_space<vmem>>) target(%dma_start3A_27 : memref<64x384xi32, #tpu.memory_space<hbm>>) target_semaphore(%run_scoped3A_23 : memref<!tpu.dma_semaphore, #tpu.memory_space<semaphore_mem>>)
        %dma_wait3A_28 = arith.constant 0 : i32
        %dma_wait3A_29 = tpu.memref_slice %arg5[%add3A_11, %dma_wait3A_28] : memref<8192x384xi32, #tpu.memory_space<hbm>> -> memref<64x384xi32, #tpu.memory_space<hbm>>
        %dma_wait3A_30 = arith.constant 0 : i32
        %dma_wait3A_31 = tpu.memref_slice %arg5[%add3A_11, %dma_wait3A_30] : memref<8192x384xi32, #tpu.memory_space<hbm>> -> memref<64x384xi32, #tpu.memory_space<hbm>>
        tpu.wait_dma2 semaphore(%run_scoped3A_23 : memref<!tpu.dma_semaphore, #tpu.memory_space<semaphore_mem>>) src(%arg6 : memref<64x384xi32, #tpu.memory_space<vmem>>) dst(%dma_wait3A_31 : memref<64x384xi32, #tpu.memory_space<hbm>>)
        tpu.yield
      }) : () -> ()
    }
    %scan3A_7 = arith.constant 4 : i32
    return
  }
}

#map = affine_map<(d0, d1) -> (0, 0)>
module attributes {stable_mosaic.version = 14 : i64} {
  func.func @dispatch(%arg0: i32, %arg1: i32, %arg2: memref<8192x384xi32, #tpu.memory_space<hbm>>, %arg3: memref<2x8192xi32, #tpu.memory_space<hbm>>, %arg4: memref<20800x384xi32, #tpu.memory_space<hbm>>, %arg5: memref<64x384xi32, #tpu.memory_space<vmem>>, %arg6: memref<64x384xi32, #tpu.memory_space<vmem>>, %arg7: memref<64xi32, #tpu.memory_space<vmem>>, %arg8: memref<64xi32, #tpu.memory_space<vmem>>, %arg9: memref<64xi32, #tpu.memory_space<vmem>>, %arg10: memref<64xi32, #tpu.memory_space<vmem>>, %arg11: memref<!tpu.dma_semaphore, #tpu.memory_space<semaphore_mem>>, %arg12: memref<!tpu.dma_semaphore, #tpu.memory_space<semaphore_mem>>) attributes {dimension_semantics = [#tpu.dimension_semantics<core_parallel>, #tpu.dimension_semantics<subcore_parallel>], iteration_bounds = array<i64: 2, 16>, scalar_prefetch = 0 : i64, scratch_operands = 8 : i64, tpu.core_type = #tpu.core_type<sc_vector_subcore>, window_params = [{transform_indices = #map}, {transform_indices = #map}, {transform_indices = #map}]} {
    %mul3A = arith.constant 2 : i32
    %mul3A_0 = arith.muli %arg1, %mul3A : i32
    %add3A = arith.addi %mul3A_0, %arg0 : i32
    %mul3A_1 = arith.constant 256 : i32
    %mul3A_2 = arith.muli %add3A, %mul3A_1 : i32
    %add3A_3 = arith.constant 0 : i32
    %add3A_4 = arith.addi %mul3A_2, %add3A_3 : i32
    %dma_start3A = arith.constant 0 : i32
    %dma_start3A_5 = tpu.memref_slice %arg2[%add3A_4, %dma_start3A] : memref<8192x384xi32, #tpu.memory_space<hbm>> -> memref<64x384xi32, #tpu.memory_space<hbm>>
    %dma_start3A_6 = arith.constant 0 : i32
    %dma_start3A_7 = tpu.memref_slice %arg2[%add3A_4, %dma_start3A_6] : memref<8192x384xi32, #tpu.memory_space<hbm>> -> memref<64x384xi32, #tpu.memory_space<hbm>>
    tpu.enqueue_dma source(%dma_start3A_7 : memref<64x384xi32, #tpu.memory_space<hbm>>) target(%arg5 : memref<64x384xi32, #tpu.memory_space<vmem>>) target_semaphore(%arg11 : memref<!tpu.dma_semaphore, #tpu.memory_space<semaphore_mem>>)
    %dma_start3A_8 = arith.constant 0 : i32
    %dma_start3A_9 = tpu.memref_slice %arg3[%dma_start3A_8, %add3A_4] : memref<2x8192xi32, #tpu.memory_space<hbm>> -> memref<1x64xi32, #tpu.memory_space<hbm>>
    %dma_start3A_10 = tpu.memref_squeeze %dma_start3A_9 : memref<1x64xi32, #tpu.memory_space<hbm>> -> memref<64xi32, #tpu.memory_space<hbm>>
    %dma_start3A_11 = tpu.memref_slice %arg3[%dma_start3A_8, %add3A_4] : memref<2x8192xi32, #tpu.memory_space<hbm>> -> memref<1x64xi32, #tpu.memory_space<hbm>>
    %dma_start3A_12 = tpu.memref_squeeze %dma_start3A_11 : memref<1x64xi32, #tpu.memory_space<hbm>> -> memref<64xi32, #tpu.memory_space<hbm>>
    tpu.enqueue_dma source(%dma_start3A_12 : memref<64xi32, #tpu.memory_space<hbm>>) target(%arg7 : memref<64xi32, #tpu.memory_space<vmem>>) target_semaphore(%arg11 : memref<!tpu.dma_semaphore, #tpu.memory_space<semaphore_mem>>)
    %dma_start3A_13 = arith.constant 1 : i32
    %dma_start3A_14 = tpu.memref_slice %arg3[%dma_start3A_13, %add3A_4] : memref<2x8192xi32, #tpu.memory_space<hbm>> -> memref<1x64xi32, #tpu.memory_space<hbm>>
    %dma_start3A_15 = tpu.memref_squeeze %dma_start3A_14 : memref<1x64xi32, #tpu.memory_space<hbm>> -> memref<64xi32, #tpu.memory_space<hbm>>
    %dma_start3A_16 = tpu.memref_slice %arg3[%dma_start3A_13, %add3A_4] : memref<2x8192xi32, #tpu.memory_space<hbm>> -> memref<1x64xi32, #tpu.memory_space<hbm>>
    %dma_start3A_17 = tpu.memref_squeeze %dma_start3A_16 : memref<1x64xi32, #tpu.memory_space<hbm>> -> memref<64xi32, #tpu.memory_space<hbm>>
    tpu.enqueue_dma source(%dma_start3A_17 : memref<64xi32, #tpu.memory_space<hbm>>) target(%arg9 : memref<64xi32, #tpu.memory_space<vmem>>) target_semaphore(%arg11 : memref<!tpu.dma_semaphore, #tpu.memory_space<semaphore_mem>>)
    %dma_wait3A = arith.constant 0 : i32
    %dma_wait3A_18 = tpu.memref_slice %arg2[%add3A_4, %dma_wait3A] : memref<8192x384xi32, #tpu.memory_space<hbm>> -> memref<64x384xi32, #tpu.memory_space<hbm>>
    %dma_wait3A_19 = arith.constant 0 : i32
    %dma_wait3A_20 = tpu.memref_slice %arg2[%add3A_4, %dma_wait3A_19] : memref<8192x384xi32, #tpu.memory_space<hbm>> -> memref<64x384xi32, #tpu.memory_space<hbm>>
    tpu.wait_dma2 semaphore(%arg11 : memref<!tpu.dma_semaphore, #tpu.memory_space<semaphore_mem>>) src(%dma_wait3A_20 : memref<64x384xi32, #tpu.memory_space<hbm>>) dst(%arg5 : memref<64x384xi32, #tpu.memory_space<vmem>>)
    %dma_wait3A_21 = arith.constant 0 : i32
    %dma_wait3A_22 = tpu.memref_slice %arg3[%dma_wait3A_21, %add3A_4] : memref<2x8192xi32, #tpu.memory_space<hbm>> -> memref<1x64xi32, #tpu.memory_space<hbm>>
    %dma_wait3A_23 = tpu.memref_squeeze %dma_wait3A_22 : memref<1x64xi32, #tpu.memory_space<hbm>> -> memref<64xi32, #tpu.memory_space<hbm>>
    %dma_wait3A_24 = tpu.memref_slice %arg3[%dma_wait3A_21, %add3A_4] : memref<2x8192xi32, #tpu.memory_space<hbm>> -> memref<1x64xi32, #tpu.memory_space<hbm>>
    %dma_wait3A_25 = tpu.memref_squeeze %dma_wait3A_24 : memref<1x64xi32, #tpu.memory_space<hbm>> -> memref<64xi32, #tpu.memory_space<hbm>>
    tpu.wait_dma2 semaphore(%arg11 : memref<!tpu.dma_semaphore, #tpu.memory_space<semaphore_mem>>) src(%dma_wait3A_25 : memref<64xi32, #tpu.memory_space<hbm>>) dst(%arg7 : memref<64xi32, #tpu.memory_space<vmem>>)
    %dma_wait3A_26 = arith.constant 1 : i32
    %dma_wait3A_27 = tpu.memref_slice %arg3[%dma_wait3A_26, %add3A_4] : memref<2x8192xi32, #tpu.memory_space<hbm>> -> memref<1x64xi32, #tpu.memory_space<hbm>>
    %dma_wait3A_28 = tpu.memref_squeeze %dma_wait3A_27 : memref<1x64xi32, #tpu.memory_space<hbm>> -> memref<64xi32, #tpu.memory_space<hbm>>
    %dma_wait3A_29 = tpu.memref_slice %arg3[%dma_wait3A_26, %add3A_4] : memref<2x8192xi32, #tpu.memory_space<hbm>> -> memref<1x64xi32, #tpu.memory_space<hbm>>
    %dma_wait3A_30 = tpu.memref_squeeze %dma_wait3A_29 : memref<1x64xi32, #tpu.memory_space<hbm>> -> memref<64xi32, #tpu.memory_space<hbm>>
    tpu.wait_dma2 semaphore(%arg11 : memref<!tpu.dma_semaphore, #tpu.memory_space<semaphore_mem>>) src(%dma_wait3A_30 : memref<64xi32, #tpu.memory_space<hbm>>) dst(%arg9 : memref<64xi32, #tpu.memory_space<vmem>>)
    %dma_start3A_31 = arith.constant 0 : i32
    %dma_start3A_32 = arith.constant 0 : i32
    %dma_start3A_33 = tpu.memref_slice %arg4[%dma_start3A_31, %dma_start3A_32] : memref<20800x384xi32, #tpu.memory_space<hbm>> -> memref<20800x384xi32, #tpu.memory_space<hbm>>
    tpu.enqueue_indirect_dma source(%arg5 : memref<64x384xi32, #tpu.memory_space<vmem>>) target(%dma_start3A_33 : memref<20800x384xi32, #tpu.memory_space<hbm>>) offsets(%arg7 : memref<64xi32, #tpu.memory_space<vmem>>) semaphore(%arg12 : memref<!tpu.dma_semaphore, #tpu.memory_space<semaphore_mem>>)
    %dma_start3A_34 = arith.constant 0 : i32
    %dma_start3A_35 = arith.constant 0 : i32
    %dma_start3A_36 = tpu.memref_slice %arg4[%dma_start3A_34, %dma_start3A_35] : memref<20800x384xi32, #tpu.memory_space<hbm>> -> memref<20800x384xi32, #tpu.memory_space<hbm>>
    tpu.enqueue_indirect_dma source(%arg5 : memref<64x384xi32, #tpu.memory_space<vmem>>) target(%dma_start3A_36 : memref<20800x384xi32, #tpu.memory_space<hbm>>) offsets(%arg9 : memref<64xi32, #tpu.memory_space<vmem>>) semaphore(%arg12 : memref<!tpu.dma_semaphore, #tpu.memory_space<semaphore_mem>>)
    %add3A_37 = arith.constant 64 : i32
    %add3A_38 = arith.addi %mul3A_2, %add3A_37 : i32
    %dma_start3A_39 = arith.constant 0 : i32
    %dma_start3A_40 = tpu.memref_slice %arg2[%add3A_38, %dma_start3A_39] : memref<8192x384xi32, #tpu.memory_space<hbm>> -> memref<64x384xi32, #tpu.memory_space<hbm>>
    %dma_start3A_41 = arith.constant 0 : i32
    %dma_start3A_42 = tpu.memref_slice %arg2[%add3A_38, %dma_start3A_41] : memref<8192x384xi32, #tpu.memory_space<hbm>> -> memref<64x384xi32, #tpu.memory_space<hbm>>
    tpu.enqueue_dma source(%dma_start3A_42 : memref<64x384xi32, #tpu.memory_space<hbm>>) target(%arg6 : memref<64x384xi32, #tpu.memory_space<vmem>>) target_semaphore(%arg11 : memref<!tpu.dma_semaphore, #tpu.memory_space<semaphore_mem>>)
    %dma_start3A_43 = arith.constant 0 : i32
    %dma_start3A_44 = tpu.memref_slice %arg3[%dma_start3A_43, %add3A_38] : memref<2x8192xi32, #tpu.memory_space<hbm>> -> memref<1x64xi32, #tpu.memory_space<hbm>>
    %dma_start3A_45 = tpu.memref_squeeze %dma_start3A_44 : memref<1x64xi32, #tpu.memory_space<hbm>> -> memref<64xi32, #tpu.memory_space<hbm>>
    %dma_start3A_46 = tpu.memref_slice %arg3[%dma_start3A_43, %add3A_38] : memref<2x8192xi32, #tpu.memory_space<hbm>> -> memref<1x64xi32, #tpu.memory_space<hbm>>
    %dma_start3A_47 = tpu.memref_squeeze %dma_start3A_46 : memref<1x64xi32, #tpu.memory_space<hbm>> -> memref<64xi32, #tpu.memory_space<hbm>>
    tpu.enqueue_dma source(%dma_start3A_47 : memref<64xi32, #tpu.memory_space<hbm>>) target(%arg8 : memref<64xi32, #tpu.memory_space<vmem>>) target_semaphore(%arg11 : memref<!tpu.dma_semaphore, #tpu.memory_space<semaphore_mem>>)
    %dma_start3A_48 = arith.constant 1 : i32
    %dma_start3A_49 = tpu.memref_slice %arg3[%dma_start3A_48, %add3A_38] : memref<2x8192xi32, #tpu.memory_space<hbm>> -> memref<1x64xi32, #tpu.memory_space<hbm>>
    %dma_start3A_50 = tpu.memref_squeeze %dma_start3A_49 : memref<1x64xi32, #tpu.memory_space<hbm>> -> memref<64xi32, #tpu.memory_space<hbm>>
    %dma_start3A_51 = tpu.memref_slice %arg3[%dma_start3A_48, %add3A_38] : memref<2x8192xi32, #tpu.memory_space<hbm>> -> memref<1x64xi32, #tpu.memory_space<hbm>>
    %dma_start3A_52 = tpu.memref_squeeze %dma_start3A_51 : memref<1x64xi32, #tpu.memory_space<hbm>> -> memref<64xi32, #tpu.memory_space<hbm>>
    tpu.enqueue_dma source(%dma_start3A_52 : memref<64xi32, #tpu.memory_space<hbm>>) target(%arg10 : memref<64xi32, #tpu.memory_space<vmem>>) target_semaphore(%arg11 : memref<!tpu.dma_semaphore, #tpu.memory_space<semaphore_mem>>)
    %dma_wait3A_53 = arith.constant 0 : i32
    %dma_wait3A_54 = tpu.memref_slice %arg2[%add3A_38, %dma_wait3A_53] : memref<8192x384xi32, #tpu.memory_space<hbm>> -> memref<64x384xi32, #tpu.memory_space<hbm>>
    %dma_wait3A_55 = arith.constant 0 : i32
    %dma_wait3A_56 = tpu.memref_slice %arg2[%add3A_38, %dma_wait3A_55] : memref<8192x384xi32, #tpu.memory_space<hbm>> -> memref<64x384xi32, #tpu.memory_space<hbm>>
    tpu.wait_dma2 semaphore(%arg11 : memref<!tpu.dma_semaphore, #tpu.memory_space<semaphore_mem>>) src(%dma_wait3A_56 : memref<64x384xi32, #tpu.memory_space<hbm>>) dst(%arg6 : memref<64x384xi32, #tpu.memory_space<vmem>>)
    %dma_wait3A_57 = arith.constant 0 : i32
    %dma_wait3A_58 = tpu.memref_slice %arg3[%dma_wait3A_57, %add3A_38] : memref<2x8192xi32, #tpu.memory_space<hbm>> -> memref<1x64xi32, #tpu.memory_space<hbm>>
    %dma_wait3A_59 = tpu.memref_squeeze %dma_wait3A_58 : memref<1x64xi32, #tpu.memory_space<hbm>> -> memref<64xi32, #tpu.memory_space<hbm>>
    %dma_wait3A_60 = tpu.memref_slice %arg3[%dma_wait3A_57, %add3A_38] : memref<2x8192xi32, #tpu.memory_space<hbm>> -> memref<1x64xi32, #tpu.memory_space<hbm>>
    %dma_wait3A_61 = tpu.memref_squeeze %dma_wait3A_60 : memref<1x64xi32, #tpu.memory_space<hbm>> -> memref<64xi32, #tpu.memory_space<hbm>>
    tpu.wait_dma2 semaphore(%arg11 : memref<!tpu.dma_semaphore, #tpu.memory_space<semaphore_mem>>) src(%dma_wait3A_61 : memref<64xi32, #tpu.memory_space<hbm>>) dst(%arg8 : memref<64xi32, #tpu.memory_space<vmem>>)
    %dma_wait3A_62 = arith.constant 1 : i32
    %dma_wait3A_63 = tpu.memref_slice %arg3[%dma_wait3A_62, %add3A_38] : memref<2x8192xi32, #tpu.memory_space<hbm>> -> memref<1x64xi32, #tpu.memory_space<hbm>>
    %dma_wait3A_64 = tpu.memref_squeeze %dma_wait3A_63 : memref<1x64xi32, #tpu.memory_space<hbm>> -> memref<64xi32, #tpu.memory_space<hbm>>
    %dma_wait3A_65 = tpu.memref_slice %arg3[%dma_wait3A_62, %add3A_38] : memref<2x8192xi32, #tpu.memory_space<hbm>> -> memref<1x64xi32, #tpu.memory_space<hbm>>
    %dma_wait3A_66 = tpu.memref_squeeze %dma_wait3A_65 : memref<1x64xi32, #tpu.memory_space<hbm>> -> memref<64xi32, #tpu.memory_space<hbm>>
    tpu.wait_dma2 semaphore(%arg11 : memref<!tpu.dma_semaphore, #tpu.memory_space<semaphore_mem>>) src(%dma_wait3A_66 : memref<64xi32, #tpu.memory_space<hbm>>) dst(%arg10 : memref<64xi32, #tpu.memory_space<vmem>>)
    %dma_wait3A_67 = arith.constant 0 : i32
    %dma_wait3A_68 = arith.constant 0 : i32
    %dma_wait3A_69 = tpu.memref_slice %arg4[%dma_wait3A_67, %dma_wait3A_68] : memref<20800x384xi32, #tpu.memory_space<hbm>> -> memref<20800x384xi32, #tpu.memory_space<hbm>>
    tpu.wait_indirect_dma semaphore(%arg12 : memref<!tpu.dma_semaphore, #tpu.memory_space<semaphore_mem>>) src(%arg5 : memref<64x384xi32, #tpu.memory_space<vmem>>) dst(%dma_wait3A_69 : memref<20800x384xi32, #tpu.memory_space<hbm>>)
    %dma_wait3A_70 = arith.constant 0 : i32
    %dma_wait3A_71 = arith.constant 0 : i32
    %dma_wait3A_72 = tpu.memref_slice %arg4[%dma_wait3A_70, %dma_wait3A_71] : memref<20800x384xi32, #tpu.memory_space<hbm>> -> memref<20800x384xi32, #tpu.memory_space<hbm>>
    tpu.wait_indirect_dma semaphore(%arg12 : memref<!tpu.dma_semaphore, #tpu.memory_space<semaphore_mem>>) src(%arg5 : memref<64x384xi32, #tpu.memory_space<vmem>>) dst(%dma_wait3A_72 : memref<20800x384xi32, #tpu.memory_space<hbm>>)
    %dma_start3A_73 = arith.constant 0 : i32
    %dma_start3A_74 = arith.constant 0 : i32
    %dma_start3A_75 = tpu.memref_slice %arg4[%dma_start3A_73, %dma_start3A_74] : memref<20800x384xi32, #tpu.memory_space<hbm>> -> memref<20800x384xi32, #tpu.memory_space<hbm>>
    tpu.enqueue_indirect_dma source(%arg6 : memref<64x384xi32, #tpu.memory_space<vmem>>) target(%dma_start3A_75 : memref<20800x384xi32, #tpu.memory_space<hbm>>) offsets(%arg8 : memref<64xi32, #tpu.memory_space<vmem>>) semaphore(%arg12 : memref<!tpu.dma_semaphore, #tpu.memory_space<semaphore_mem>>)
    %dma_start3A_76 = arith.constant 0 : i32
    %dma_start3A_77 = arith.constant 0 : i32
    %dma_start3A_78 = tpu.memref_slice %arg4[%dma_start3A_76, %dma_start3A_77] : memref<20800x384xi32, #tpu.memory_space<hbm>> -> memref<20800x384xi32, #tpu.memory_space<hbm>>
    tpu.enqueue_indirect_dma source(%arg6 : memref<64x384xi32, #tpu.memory_space<vmem>>) target(%dma_start3A_78 : memref<20800x384xi32, #tpu.memory_space<hbm>>) offsets(%arg10 : memref<64xi32, #tpu.memory_space<vmem>>) semaphore(%arg12 : memref<!tpu.dma_semaphore, #tpu.memory_space<semaphore_mem>>)
    %add3A_79 = arith.constant 128 : i32
    %add3A_80 = arith.addi %mul3A_2, %add3A_79 : i32
    %dma_start3A_81 = arith.constant 0 : i32
    %dma_start3A_82 = tpu.memref_slice %arg2[%add3A_80, %dma_start3A_81] : memref<8192x384xi32, #tpu.memory_space<hbm>> -> memref<64x384xi32, #tpu.memory_space<hbm>>
    %dma_start3A_83 = arith.constant 0 : i32
    %dma_start3A_84 = tpu.memref_slice %arg2[%add3A_80, %dma_start3A_83] : memref<8192x384xi32, #tpu.memory_space<hbm>> -> memref<64x384xi32, #tpu.memory_space<hbm>>
    tpu.enqueue_dma source(%dma_start3A_84 : memref<64x384xi32, #tpu.memory_space<hbm>>) target(%arg5 : memref<64x384xi32, #tpu.memory_space<vmem>>) target_semaphore(%arg11 : memref<!tpu.dma_semaphore, #tpu.memory_space<semaphore_mem>>)
    %dma_start3A_85 = arith.constant 0 : i32
    %dma_start3A_86 = tpu.memref_slice %arg3[%dma_start3A_85, %add3A_80] : memref<2x8192xi32, #tpu.memory_space<hbm>> -> memref<1x64xi32, #tpu.memory_space<hbm>>
    %dma_start3A_87 = tpu.memref_squeeze %dma_start3A_86 : memref<1x64xi32, #tpu.memory_space<hbm>> -> memref<64xi32, #tpu.memory_space<hbm>>
    %dma_start3A_88 = tpu.memref_slice %arg3[%dma_start3A_85, %add3A_80] : memref<2x8192xi32, #tpu.memory_space<hbm>> -> memref<1x64xi32, #tpu.memory_space<hbm>>
    %dma_start3A_89 = tpu.memref_squeeze %dma_start3A_88 : memref<1x64xi32, #tpu.memory_space<hbm>> -> memref<64xi32, #tpu.memory_space<hbm>>
    tpu.enqueue_dma source(%dma_start3A_89 : memref<64xi32, #tpu.memory_space<hbm>>) target(%arg7 : memref<64xi32, #tpu.memory_space<vmem>>) target_semaphore(%arg11 : memref<!tpu.dma_semaphore, #tpu.memory_space<semaphore_mem>>)
    %dma_start3A_90 = arith.constant 1 : i32
    %dma_start3A_91 = tpu.memref_slice %arg3[%dma_start3A_90, %add3A_80] : memref<2x8192xi32, #tpu.memory_space<hbm>> -> memref<1x64xi32, #tpu.memory_space<hbm>>
    %dma_start3A_92 = tpu.memref_squeeze %dma_start3A_91 : memref<1x64xi32, #tpu.memory_space<hbm>> -> memref<64xi32, #tpu.memory_space<hbm>>
    %dma_start3A_93 = tpu.memref_slice %arg3[%dma_start3A_90, %add3A_80] : memref<2x8192xi32, #tpu.memory_space<hbm>> -> memref<1x64xi32, #tpu.memory_space<hbm>>
    %dma_start3A_94 = tpu.memref_squeeze %dma_start3A_93 : memref<1x64xi32, #tpu.memory_space<hbm>> -> memref<64xi32, #tpu.memory_space<hbm>>
    tpu.enqueue_dma source(%dma_start3A_94 : memref<64xi32, #tpu.memory_space<hbm>>) target(%arg9 : memref<64xi32, #tpu.memory_space<vmem>>) target_semaphore(%arg11 : memref<!tpu.dma_semaphore, #tpu.memory_space<semaphore_mem>>)
    %dma_wait3A_95 = arith.constant 0 : i32
    %dma_wait3A_96 = tpu.memref_slice %arg2[%add3A_80, %dma_wait3A_95] : memref<8192x384xi32, #tpu.memory_space<hbm>> -> memref<64x384xi32, #tpu.memory_space<hbm>>
    %dma_wait3A_97 = arith.constant 0 : i32
    %dma_wait3A_98 = tpu.memref_slice %arg2[%add3A_80, %dma_wait3A_97] : memref<8192x384xi32, #tpu.memory_space<hbm>> -> memref<64x384xi32, #tpu.memory_space<hbm>>
    tpu.wait_dma2 semaphore(%arg11 : memref<!tpu.dma_semaphore, #tpu.memory_space<semaphore_mem>>) src(%dma_wait3A_98 : memref<64x384xi32, #tpu.memory_space<hbm>>) dst(%arg5 : memref<64x384xi32, #tpu.memory_space<vmem>>)
    %dma_wait3A_99 = arith.constant 0 : i32
    %dma_wait3A_100 = tpu.memref_slice %arg3[%dma_wait3A_99, %add3A_80] : memref<2x8192xi32, #tpu.memory_space<hbm>> -> memref<1x64xi32, #tpu.memory_space<hbm>>
    %dma_wait3A_101 = tpu.memref_squeeze %dma_wait3A_100 : memref<1x64xi32, #tpu.memory_space<hbm>> -> memref<64xi32, #tpu.memory_space<hbm>>
    %dma_wait3A_102 = tpu.memref_slice %arg3[%dma_wait3A_99, %add3A_80] : memref<2x8192xi32, #tpu.memory_space<hbm>> -> memref<1x64xi32, #tpu.memory_space<hbm>>
    %dma_wait3A_103 = tpu.memref_squeeze %dma_wait3A_102 : memref<1x64xi32, #tpu.memory_space<hbm>> -> memref<64xi32, #tpu.memory_space<hbm>>
    tpu.wait_dma2 semaphore(%arg11 : memref<!tpu.dma_semaphore, #tpu.memory_space<semaphore_mem>>) src(%dma_wait3A_103 : memref<64xi32, #tpu.memory_space<hbm>>) dst(%arg7 : memref<64xi32, #tpu.memory_space<vmem>>)
    %dma_wait3A_104 = arith.constant 1 : i32
    %dma_wait3A_105 = tpu.memref_slice %arg3[%dma_wait3A_104, %add3A_80] : memref<2x8192xi32, #tpu.memory_space<hbm>> -> memref<1x64xi32, #tpu.memory_space<hbm>>
    %dma_wait3A_106 = tpu.memref_squeeze %dma_wait3A_105 : memref<1x64xi32, #tpu.memory_space<hbm>> -> memref<64xi32, #tpu.memory_space<hbm>>
    %dma_wait3A_107 = tpu.memref_slice %arg3[%dma_wait3A_104, %add3A_80] : memref<2x8192xi32, #tpu.memory_space<hbm>> -> memref<1x64xi32, #tpu.memory_space<hbm>>
    %dma_wait3A_108 = tpu.memref_squeeze %dma_wait3A_107 : memref<1x64xi32, #tpu.memory_space<hbm>> -> memref<64xi32, #tpu.memory_space<hbm>>
    tpu.wait_dma2 semaphore(%arg11 : memref<!tpu.dma_semaphore, #tpu.memory_space<semaphore_mem>>) src(%dma_wait3A_108 : memref<64xi32, #tpu.memory_space<hbm>>) dst(%arg9 : memref<64xi32, #tpu.memory_space<vmem>>)
    %dma_wait3A_109 = arith.constant 0 : i32
    %dma_wait3A_110 = arith.constant 0 : i32
    %dma_wait3A_111 = tpu.memref_slice %arg4[%dma_wait3A_109, %dma_wait3A_110] : memref<20800x384xi32, #tpu.memory_space<hbm>> -> memref<20800x384xi32, #tpu.memory_space<hbm>>
    tpu.wait_indirect_dma semaphore(%arg12 : memref<!tpu.dma_semaphore, #tpu.memory_space<semaphore_mem>>) src(%arg6 : memref<64x384xi32, #tpu.memory_space<vmem>>) dst(%dma_wait3A_111 : memref<20800x384xi32, #tpu.memory_space<hbm>>)
    %dma_wait3A_112 = arith.constant 0 : i32
    %dma_wait3A_113 = arith.constant 0 : i32
    %dma_wait3A_114 = tpu.memref_slice %arg4[%dma_wait3A_112, %dma_wait3A_113] : memref<20800x384xi32, #tpu.memory_space<hbm>> -> memref<20800x384xi32, #tpu.memory_space<hbm>>
    tpu.wait_indirect_dma semaphore(%arg12 : memref<!tpu.dma_semaphore, #tpu.memory_space<semaphore_mem>>) src(%arg6 : memref<64x384xi32, #tpu.memory_space<vmem>>) dst(%dma_wait3A_114 : memref<20800x384xi32, #tpu.memory_space<hbm>>)
    %dma_start3A_115 = arith.constant 0 : i32
    %dma_start3A_116 = arith.constant 0 : i32
    %dma_start3A_117 = tpu.memref_slice %arg4[%dma_start3A_115, %dma_start3A_116] : memref<20800x384xi32, #tpu.memory_space<hbm>> -> memref<20800x384xi32, #tpu.memory_space<hbm>>
    tpu.enqueue_indirect_dma source(%arg5 : memref<64x384xi32, #tpu.memory_space<vmem>>) target(%dma_start3A_117 : memref<20800x384xi32, #tpu.memory_space<hbm>>) offsets(%arg7 : memref<64xi32, #tpu.memory_space<vmem>>) semaphore(%arg12 : memref<!tpu.dma_semaphore, #tpu.memory_space<semaphore_mem>>)
    %dma_start3A_118 = arith.constant 0 : i32
    %dma_start3A_119 = arith.constant 0 : i32
    %dma_start3A_120 = tpu.memref_slice %arg4[%dma_start3A_118, %dma_start3A_119] : memref<20800x384xi32, #tpu.memory_space<hbm>> -> memref<20800x384xi32, #tpu.memory_space<hbm>>
    tpu.enqueue_indirect_dma source(%arg5 : memref<64x384xi32, #tpu.memory_space<vmem>>) target(%dma_start3A_120 : memref<20800x384xi32, #tpu.memory_space<hbm>>) offsets(%arg9 : memref<64xi32, #tpu.memory_space<vmem>>) semaphore(%arg12 : memref<!tpu.dma_semaphore, #tpu.memory_space<semaphore_mem>>)
    %add3A_121 = arith.constant 192 : i32
    %add3A_122 = arith.addi %mul3A_2, %add3A_121 : i32
    %dma_start3A_123 = arith.constant 0 : i32
    %dma_start3A_124 = tpu.memref_slice %arg2[%add3A_122, %dma_start3A_123] : memref<8192x384xi32, #tpu.memory_space<hbm>> -> memref<64x384xi32, #tpu.memory_space<hbm>>
    %dma_start3A_125 = arith.constant 0 : i32
    %dma_start3A_126 = tpu.memref_slice %arg2[%add3A_122, %dma_start3A_125] : memref<8192x384xi32, #tpu.memory_space<hbm>> -> memref<64x384xi32, #tpu.memory_space<hbm>>
    tpu.enqueue_dma source(%dma_start3A_126 : memref<64x384xi32, #tpu.memory_space<hbm>>) target(%arg6 : memref<64x384xi32, #tpu.memory_space<vmem>>) target_semaphore(%arg11 : memref<!tpu.dma_semaphore, #tpu.memory_space<semaphore_mem>>)
    %dma_start3A_127 = arith.constant 0 : i32
    %dma_start3A_128 = tpu.memref_slice %arg3[%dma_start3A_127, %add3A_122] : memref<2x8192xi32, #tpu.memory_space<hbm>> -> memref<1x64xi32, #tpu.memory_space<hbm>>
    %dma_start3A_129 = tpu.memref_squeeze %dma_start3A_128 : memref<1x64xi32, #tpu.memory_space<hbm>> -> memref<64xi32, #tpu.memory_space<hbm>>
    %dma_start3A_130 = tpu.memref_slice %arg3[%dma_start3A_127, %add3A_122] : memref<2x8192xi32, #tpu.memory_space<hbm>> -> memref<1x64xi32, #tpu.memory_space<hbm>>
    %dma_start3A_131 = tpu.memref_squeeze %dma_start3A_130 : memref<1x64xi32, #tpu.memory_space<hbm>> -> memref<64xi32, #tpu.memory_space<hbm>>
    tpu.enqueue_dma source(%dma_start3A_131 : memref<64xi32, #tpu.memory_space<hbm>>) target(%arg8 : memref<64xi32, #tpu.memory_space<vmem>>) target_semaphore(%arg11 : memref<!tpu.dma_semaphore, #tpu.memory_space<semaphore_mem>>)
    %dma_start3A_132 = arith.constant 1 : i32
    %dma_start3A_133 = tpu.memref_slice %arg3[%dma_start3A_132, %add3A_122] : memref<2x8192xi32, #tpu.memory_space<hbm>> -> memref<1x64xi32, #tpu.memory_space<hbm>>
    %dma_start3A_134 = tpu.memref_squeeze %dma_start3A_133 : memref<1x64xi32, #tpu.memory_space<hbm>> -> memref<64xi32, #tpu.memory_space<hbm>>
    %dma_start3A_135 = tpu.memref_slice %arg3[%dma_start3A_132, %add3A_122] : memref<2x8192xi32, #tpu.memory_space<hbm>> -> memref<1x64xi32, #tpu.memory_space<hbm>>
    %dma_start3A_136 = tpu.memref_squeeze %dma_start3A_135 : memref<1x64xi32, #tpu.memory_space<hbm>> -> memref<64xi32, #tpu.memory_space<hbm>>
    tpu.enqueue_dma source(%dma_start3A_136 : memref<64xi32, #tpu.memory_space<hbm>>) target(%arg10 : memref<64xi32, #tpu.memory_space<vmem>>) target_semaphore(%arg11 : memref<!tpu.dma_semaphore, #tpu.memory_space<semaphore_mem>>)
    %dma_wait3A_137 = arith.constant 0 : i32
    %dma_wait3A_138 = tpu.memref_slice %arg2[%add3A_122, %dma_wait3A_137] : memref<8192x384xi32, #tpu.memory_space<hbm>> -> memref<64x384xi32, #tpu.memory_space<hbm>>
    %dma_wait3A_139 = arith.constant 0 : i32
    %dma_wait3A_140 = tpu.memref_slice %arg2[%add3A_122, %dma_wait3A_139] : memref<8192x384xi32, #tpu.memory_space<hbm>> -> memref<64x384xi32, #tpu.memory_space<hbm>>
    tpu.wait_dma2 semaphore(%arg11 : memref<!tpu.dma_semaphore, #tpu.memory_space<semaphore_mem>>) src(%dma_wait3A_140 : memref<64x384xi32, #tpu.memory_space<hbm>>) dst(%arg6 : memref<64x384xi32, #tpu.memory_space<vmem>>)
    %dma_wait3A_141 = arith.constant 0 : i32
    %dma_wait3A_142 = tpu.memref_slice %arg3[%dma_wait3A_141, %add3A_122] : memref<2x8192xi32, #tpu.memory_space<hbm>> -> memref<1x64xi32, #tpu.memory_space<hbm>>
    %dma_wait3A_143 = tpu.memref_squeeze %dma_wait3A_142 : memref<1x64xi32, #tpu.memory_space<hbm>> -> memref<64xi32, #tpu.memory_space<hbm>>
    %dma_wait3A_144 = tpu.memref_slice %arg3[%dma_wait3A_141, %add3A_122] : memref<2x8192xi32, #tpu.memory_space<hbm>> -> memref<1x64xi32, #tpu.memory_space<hbm>>
    %dma_wait3A_145 = tpu.memref_squeeze %dma_wait3A_144 : memref<1x64xi32, #tpu.memory_space<hbm>> -> memref<64xi32, #tpu.memory_space<hbm>>
    tpu.wait_dma2 semaphore(%arg11 : memref<!tpu.dma_semaphore, #tpu.memory_space<semaphore_mem>>) src(%dma_wait3A_145 : memref<64xi32, #tpu.memory_space<hbm>>) dst(%arg8 : memref<64xi32, #tpu.memory_space<vmem>>)
    %dma_wait3A_146 = arith.constant 1 : i32
    %dma_wait3A_147 = tpu.memref_slice %arg3[%dma_wait3A_146, %add3A_122] : memref<2x8192xi32, #tpu.memory_space<hbm>> -> memref<1x64xi32, #tpu.memory_space<hbm>>
    %dma_wait3A_148 = tpu.memref_squeeze %dma_wait3A_147 : memref<1x64xi32, #tpu.memory_space<hbm>> -> memref<64xi32, #tpu.memory_space<hbm>>
    %dma_wait3A_149 = tpu.memref_slice %arg3[%dma_wait3A_146, %add3A_122] : memref<2x8192xi32, #tpu.memory_space<hbm>> -> memref<1x64xi32, #tpu.memory_space<hbm>>
    %dma_wait3A_150 = tpu.memref_squeeze %dma_wait3A_149 : memref<1x64xi32, #tpu.memory_space<hbm>> -> memref<64xi32, #tpu.memory_space<hbm>>
    tpu.wait_dma2 semaphore(%arg11 : memref<!tpu.dma_semaphore, #tpu.memory_space<semaphore_mem>>) src(%dma_wait3A_150 : memref<64xi32, #tpu.memory_space<hbm>>) dst(%arg10 : memref<64xi32, #tpu.memory_space<vmem>>)
    %dma_wait3A_151 = arith.constant 0 : i32
    %dma_wait3A_152 = arith.constant 0 : i32
    %dma_wait3A_153 = tpu.memref_slice %arg4[%dma_wait3A_151, %dma_wait3A_152] : memref<20800x384xi32, #tpu.memory_space<hbm>> -> memref<20800x384xi32, #tpu.memory_space<hbm>>
    tpu.wait_indirect_dma semaphore(%arg12 : memref<!tpu.dma_semaphore, #tpu.memory_space<semaphore_mem>>) src(%arg5 : memref<64x384xi32, #tpu.memory_space<vmem>>) dst(%dma_wait3A_153 : memref<20800x384xi32, #tpu.memory_space<hbm>>)
    %dma_wait3A_154 = arith.constant 0 : i32
    %dma_wait3A_155 = arith.constant 0 : i32
    %dma_wait3A_156 = tpu.memref_slice %arg4[%dma_wait3A_154, %dma_wait3A_155] : memref<20800x384xi32, #tpu.memory_space<hbm>> -> memref<20800x384xi32, #tpu.memory_space<hbm>>
    tpu.wait_indirect_dma semaphore(%arg12 : memref<!tpu.dma_semaphore, #tpu.memory_space<semaphore_mem>>) src(%arg5 : memref<64x384xi32, #tpu.memory_space<vmem>>) dst(%dma_wait3A_156 : memref<20800x384xi32, #tpu.memory_space<hbm>>)
    %dma_start3A_157 = arith.constant 0 : i32
    %dma_start3A_158 = arith.constant 0 : i32
    %dma_start3A_159 = tpu.memref_slice %arg4[%dma_start3A_157, %dma_start3A_158] : memref<20800x384xi32, #tpu.memory_space<hbm>> -> memref<20800x384xi32, #tpu.memory_space<hbm>>
    tpu.enqueue_indirect_dma source(%arg6 : memref<64x384xi32, #tpu.memory_space<vmem>>) target(%dma_start3A_159 : memref<20800x384xi32, #tpu.memory_space<hbm>>) offsets(%arg8 : memref<64xi32, #tpu.memory_space<vmem>>) semaphore(%arg12 : memref<!tpu.dma_semaphore, #tpu.memory_space<semaphore_mem>>)
    %dma_start3A_160 = arith.constant 0 : i32
    %dma_start3A_161 = arith.constant 0 : i32
    %dma_start3A_162 = tpu.memref_slice %arg4[%dma_start3A_160, %dma_start3A_161] : memref<20800x384xi32, #tpu.memory_space<hbm>> -> memref<20800x384xi32, #tpu.memory_space<hbm>>
    tpu.enqueue_indirect_dma source(%arg6 : memref<64x384xi32, #tpu.memory_space<vmem>>) target(%dma_start3A_162 : memref<20800x384xi32, #tpu.memory_space<hbm>>) offsets(%arg10 : memref<64xi32, #tpu.memory_space<vmem>>) semaphore(%arg12 : memref<!tpu.dma_semaphore, #tpu.memory_space<semaphore_mem>>)
    %dma_wait3A_163 = arith.constant 0 : i32
    %dma_wait3A_164 = arith.constant 0 : i32
    %dma_wait3A_165 = tpu.memref_slice %arg4[%dma_wait3A_163, %dma_wait3A_164] : memref<20800x384xi32, #tpu.memory_space<hbm>> -> memref<20800x384xi32, #tpu.memory_space<hbm>>
    tpu.wait_indirect_dma semaphore(%arg12 : memref<!tpu.dma_semaphore, #tpu.memory_space<semaphore_mem>>) src(%arg6 : memref<64x384xi32, #tpu.memory_space<vmem>>) dst(%dma_wait3A_165 : memref<20800x384xi32, #tpu.memory_space<hbm>>)
    %dma_wait3A_166 = arith.constant 0 : i32
    %dma_wait3A_167 = arith.constant 0 : i32
    %dma_wait3A_168 = tpu.memref_slice %arg4[%dma_wait3A_166, %dma_wait3A_167] : memref<20800x384xi32, #tpu.memory_space<hbm>> -> memref<20800x384xi32, #tpu.memory_space<hbm>>
    tpu.wait_indirect_dma semaphore(%arg12 : memref<!tpu.dma_semaphore, #tpu.memory_space<semaphore_mem>>) src(%arg6 : memref<64x384xi32, #tpu.memory_space<vmem>>) dst(%dma_wait3A_168 : memref<20800x384xi32, #tpu.memory_space<hbm>>)
    return
  }
}

module attributes {stable_mosaic.version = 14 : i64} {
  func.func @_shared_body(%arg0: i32, %arg1: memref<1024x384xi32, #tpu.memory_space<vmem>>, %arg2: memref<1024x768xf32, #tpu.memory_space<vmem>>, %arg3: memref<1024x768xf32, #tpu.memory_space<vmem>>, %arg4: memref<768x1024xf32, #tpu.memory_space<vmem>>, %arg5: memref<1024x768xbf16, #tpu.memory_space<vmem>>) attributes {dimension_semantics = [#tpu.dimension_semantics<arbitrary>], iteration_bounds = array<i64: 5>, scalar_prefetch = 0 : i64, scratch_operands = 0 : i64, tpu.core_type = #tpu.core_type<tc>, window_params = [{transform_indices = @transform_0, window_bounds = array<i64: 1024, 384>}, {pipeline_mode = #tpu.pipeline_mode<synchronous>, transform_indices = @transform_1, window_bounds = array<i64: 1024, 768>}, {pipeline_mode = #tpu.pipeline_mode<synchronous>, transform_indices = @transform_2, window_bounds = array<i64: 1024, 768>}, {pipeline_mode = #tpu.pipeline_mode<synchronous>, transform_indices = @transform_3, window_bounds = array<i64: 768, 1024>}, {transform_indices = @transform_4, window_bounds = array<i64: 1024, 768>}]} {
    %get3A = arith.constant 0 : index
    %get3A_0 = arith.constant 0 : index
    %get3A_1 = vector.load %arg1[%get3A, %get3A_0] : memref<1024x384xi32, #tpu.memory_space<vmem>>, vector<1024x384xi32>
    %and3A = arith.constant 65535 : i32
    %and3A_2 = vector.broadcast %and3A : i32 to vector<1024x384xi32>
    %and3A_3 = arith.andi %get3A_1, %and3A_2 : vector<1024x384xi32>
    %convert_element_type3A = arith.trunci %and3A_3 : vector<1024x384xi32> to vector<1024x384xi16>
    %bitcast_convert_type3A = tpu.bitcast %convert_element_type3A : vector<1024x384xi16> -> vector<1024x384xbf16>
    %shift_right_logical3A = arith.constant 16 : i32
    %shift_right_logical3A_4 = vector.broadcast %shift_right_logical3A : i32 to vector<1024x384xi32>
    %shift_right_logical3A_5 = arith.shrui %get3A_1, %shift_right_logical3A_4 : vector<1024x384xi32>
    %convert_element_type3A_6 = arith.trunci %shift_right_logical3A_5 : vector<1024x384xi32> to vector<1024x384xi16>
    %bitcast_convert_type3A_7 = tpu.bitcast %convert_element_type3A_6 : vector<1024x384xi16> -> vector<1024x384xbf16>
    %concatenate3A = tpu.concatenate %bitcast_convert_type3A, %bitcast_convert_type3A_7 in 1 : vector<1024x384xbf16>, vector<1024x384xbf16> -> vector<1024x768xbf16>
    %get3A_8 = arith.constant 0 : index
    %get3A_9 = arith.constant 0 : index
    %get3A_10 = vector.load %arg2[%get3A_8, %get3A_9] : memref<1024x768xf32, #tpu.memory_space<vmem>>, vector<1024x768xf32>
    %convert_element_type3A_11 = arith.truncf %get3A_10 : vector<1024x768xf32> to vector<1024x768xbf16>
    %dot_general3A = arith.constant dense<0.000000e+00> : vector<1024x1024xf32>
    %dot_general3A_12 = tpu.matmul %concatenate3A, %convert_element_type3A_11, %dot_general3A {dimension_numbers = #tpu.dot_dimension_numbers<[1], [1], [0], [0], [0, 0, 1, 0], [], []>, transpose_lhs_hint = false} : vector<1024x768xbf16>, vector<1024x768xbf16>, vector<1024x1024xf32> -> vector<1024x1024xf32>
    %get3A_13 = arith.constant 0 : index
    %get3A_14 = arith.constant 0 : index
    %get3A_15 = vector.load %arg3[%get3A_13, %get3A_14] : memref<1024x768xf32, #tpu.memory_space<vmem>>, vector<1024x768xf32>
    %convert_element_type3A_16 = arith.truncf %get3A_15 : vector<1024x768xf32> to vector<1024x768xbf16>
    %dot_general3A_17 = arith.constant dense<0.000000e+00> : vector<1024x1024xf32>
    %dot_general3A_18 = tpu.matmul %concatenate3A, %convert_element_type3A_16, %dot_general3A_17 {dimension_numbers = #tpu.dot_dimension_numbers<[1], [1], [0], [0], [0, 0, 1, 0], [], []>, transpose_lhs_hint = false} : vector<1024x768xbf16>, vector<1024x768xbf16>, vector<1024x1024xf32> -> vector<1024x1024xf32>
    %logistic3A = arith.negf %dot_general3A_12 : vector<1024x1024xf32>
    %logistic3A_19 = math.exp %logistic3A : vector<1024x1024xf32>
    %logistic3A_20 = arith.constant 1.000000e+00 : f32
    %logistic3A_21 = vector.broadcast %logistic3A_20 : f32 to vector<1024x1024xf32>
    %logistic3A_22 = arith.addf %logistic3A_21, %logistic3A_19 : vector<1024x1024xf32>
    %logistic3A_23 = arith.divf %logistic3A_21, %logistic3A_22 : vector<1024x1024xf32>
    %mul3A = arith.mulf %dot_general3A_12, %logistic3A_23 : vector<1024x1024xf32>
    %mul3A_24 = arith.mulf %mul3A, %dot_general3A_18 : vector<1024x1024xf32>
    %convert_element_type3A_25 = arith.truncf %mul3A_24 : vector<1024x1024xf32> to vector<1024x1024xbf16>
    %get3A_26 = arith.constant 0 : index
    %get3A_27 = arith.constant 0 : index
    %get3A_28 = vector.load %arg4[%get3A_26, %get3A_27] : memref<768x1024xf32, #tpu.memory_space<vmem>>, vector<768x1024xf32>
    %convert_element_type3A_29 = arith.truncf %get3A_28 : vector<768x1024xf32> to vector<768x1024xbf16>
    %dot_general3A_30 = arith.constant dense<0.000000e+00> : vector<1024x768xf32>
    %dot_general3A_31 = tpu.matmul %convert_element_type3A_25, %convert_element_type3A_29, %dot_general3A_30 {dimension_numbers = #tpu.dot_dimension_numbers<[1], [1], [0], [0], [0, 0, 1, 0], [], []>, transpose_lhs_hint = false} : vector<1024x1024xbf16>, vector<768x1024xbf16>, vector<1024x768xf32> -> vector<1024x768xf32>
    %convert_element_type3A_32 = arith.truncf %dot_general3A_31 : vector<1024x768xf32> to vector<1024x768xbf16>
    %swap3A = arith.constant 0 : index
    %swap3A_33 = arith.constant 0 : index
    %swap3A_34 = vector.load %arg5[%swap3A, %swap3A_33] : memref<1024x768xbf16, #tpu.memory_space<vmem>>, vector<1024x768xbf16>
    tpu.vector_store %arg5[%swap3A, %swap3A_33], %convert_element_type3A_32 {strides = array<i32>} : memref<1024x768xbf16, #tpu.memory_space<vmem>>, vector<1024x768xbf16>,
    return
  }
  func.func @transform_0(%arg0: i32) -> (i32, i32) {
    %add3A = arith.constant 3 : i32
    %add3A_0 = arith.addi %arg0, %add3A : i32
    %c0_i32 = arith.constant 0 : i32
    %c0_i32_1 = arith.constant 0 : i32
    return %add3A_0, %c0_i32 : i32, i32
  }
  func.func @transform_1(%arg0: i32) -> (i32, i32) {
    %c0_i32 = arith.constant 0 : i32
    %c0_i32_0 = arith.constant 0 : i32
    %c0_i32_1 = arith.constant 0 : i32
    return %c0_i32, %c0_i32_0 : i32, i32
  }
  func.func @transform_2(%arg0: i32) -> (i32, i32) {
    %c0_i32 = arith.constant 0 : i32
    %c0_i32_0 = arith.constant 0 : i32
    %c0_i32_1 = arith.constant 0 : i32
    return %c0_i32, %c0_i32_0 : i32, i32
  }
  func.func @transform_3(%arg0: i32) -> (i32, i32) {
    %c0_i32 = arith.constant 0 : i32
    %c0_i32_0 = arith.constant 0 : i32
    %c0_i32_1 = arith.constant 0 : i32
    return %c0_i32, %c0_i32_0 : i32, i32
  }
  func.func @transform_4(%arg0: i32) -> (i32, i32) {
    %c0_i32 = arith.constant 0 : i32
    %c0_i32_0 = arith.constant 0 : i32
    return %arg0, %c0_i32 : i32, i32
  }
}

module attributes {stable_mosaic.version = 14 : i64} {
  func.func @_shared_body(%arg0: i32, %arg1: memref<1024x384xi32, #tpu.memory_space<vmem>>, %arg2: memref<1024x768xf32, #tpu.memory_space<vmem>>, %arg3: memref<1024x768xf32, #tpu.memory_space<vmem>>, %arg4: memref<768x1024xf32, #tpu.memory_space<vmem>>, %arg5: memref<1024x768xbf16, #tpu.memory_space<vmem>>) attributes {dimension_semantics = [#tpu.dimension_semantics<arbitrary>], iteration_bounds = array<i64: 3>, scalar_prefetch = 0 : i64, scratch_operands = 0 : i64, tpu.core_type = #tpu.core_type<tc>, window_params = [{transform_indices = @transform_0, window_bounds = array<i64: 1024, 384>}, {pipeline_mode = #tpu.pipeline_mode<synchronous>, transform_indices = @transform_1, window_bounds = array<i64: 1024, 768>}, {pipeline_mode = #tpu.pipeline_mode<synchronous>, transform_indices = @transform_2, window_bounds = array<i64: 1024, 768>}, {pipeline_mode = #tpu.pipeline_mode<synchronous>, transform_indices = @transform_3, window_bounds = array<i64: 768, 1024>}, {transform_indices = @transform_4, window_bounds = array<i64: 1024, 768>}]} {
    %get3A = arith.constant 0 : index
    %get3A_0 = arith.constant 0 : index
    %get3A_1 = vector.load %arg1[%get3A, %get3A_0] : memref<1024x384xi32, #tpu.memory_space<vmem>>, vector<1024x384xi32>
    %and3A = arith.constant 65535 : i32
    %and3A_2 = vector.broadcast %and3A : i32 to vector<1024x384xi32>
    %and3A_3 = arith.andi %get3A_1, %and3A_2 : vector<1024x384xi32>
    %convert_element_type3A = arith.trunci %and3A_3 : vector<1024x384xi32> to vector<1024x384xi16>
    %bitcast_convert_type3A = tpu.bitcast %convert_element_type3A : vector<1024x384xi16> -> vector<1024x384xbf16>
    %shift_right_logical3A = arith.constant 16 : i32
    %shift_right_logical3A_4 = vector.broadcast %shift_right_logical3A : i32 to vector<1024x384xi32>
    %shift_right_logical3A_5 = arith.shrui %get3A_1, %shift_right_logical3A_4 : vector<1024x384xi32>
    %convert_element_type3A_6 = arith.trunci %shift_right_logical3A_5 : vector<1024x384xi32> to vector<1024x384xi16>
    %bitcast_convert_type3A_7 = tpu.bitcast %convert_element_type3A_6 : vector<1024x384xi16> -> vector<1024x384xbf16>
    %concatenate3A = tpu.concatenate %bitcast_convert_type3A, %bitcast_convert_type3A_7 in 1 : vector<1024x384xbf16>, vector<1024x384xbf16> -> vector<1024x768xbf16>
    %get3A_8 = arith.constant 0 : index
    %get3A_9 = arith.constant 0 : index
    %get3A_10 = vector.load %arg2[%get3A_8, %get3A_9] : memref<1024x768xf32, #tpu.memory_space<vmem>>, vector<1024x768xf32>
    %convert_element_type3A_11 = arith.truncf %get3A_10 : vector<1024x768xf32> to vector<1024x768xbf16>
    %dot_general3A = arith.constant dense<0.000000e+00> : vector<1024x1024xf32>
    %dot_general3A_12 = tpu.matmul %concatenate3A, %convert_element_type3A_11, %dot_general3A {dimension_numbers = #tpu.dot_dimension_numbers<[1], [1], [0], [0], [0, 0, 1, 0], [], []>, transpose_lhs_hint = false} : vector<1024x768xbf16>, vector<1024x768xbf16>, vector<1024x1024xf32> -> vector<1024x1024xf32>
    %get3A_13 = arith.constant 0 : index
    %get3A_14 = arith.constant 0 : index
    %get3A_15 = vector.load %arg3[%get3A_13, %get3A_14] : memref<1024x768xf32, #tpu.memory_space<vmem>>, vector<1024x768xf32>
    %convert_element_type3A_16 = arith.truncf %get3A_15 : vector<1024x768xf32> to vector<1024x768xbf16>
    %dot_general3A_17 = arith.constant dense<0.000000e+00> : vector<1024x1024xf32>
    %dot_general3A_18 = tpu.matmul %concatenate3A, %convert_element_type3A_16, %dot_general3A_17 {dimension_numbers = #tpu.dot_dimension_numbers<[1], [1], [0], [0], [0, 0, 1, 0], [], []>, transpose_lhs_hint = false} : vector<1024x768xbf16>, vector<1024x768xbf16>, vector<1024x1024xf32> -> vector<1024x1024xf32>
    %logistic3A = arith.negf %dot_general3A_12 : vector<1024x1024xf32>
    %logistic3A_19 = math.exp %logistic3A : vector<1024x1024xf32>
    %logistic3A_20 = arith.constant 1.000000e+00 : f32
    %logistic3A_21 = vector.broadcast %logistic3A_20 : f32 to vector<1024x1024xf32>
    %logistic3A_22 = arith.addf %logistic3A_21, %logistic3A_19 : vector<1024x1024xf32>
    %logistic3A_23 = arith.divf %logistic3A_21, %logistic3A_22 : vector<1024x1024xf32>
    %mul3A = arith.mulf %dot_general3A_12, %logistic3A_23 : vector<1024x1024xf32>
    %mul3A_24 = arith.mulf %mul3A, %dot_general3A_18 : vector<1024x1024xf32>
    %convert_element_type3A_25 = arith.truncf %mul3A_24 : vector<1024x1024xf32> to vector<1024x1024xbf16>
    %get3A_26 = arith.constant 0 : index
    %get3A_27 = arith.constant 0 : index
    %get3A_28 = vector.load %arg4[%get3A_26, %get3A_27] : memref<768x1024xf32, #tpu.memory_space<vmem>>, vector<768x1024xf32>
    %convert_element_type3A_29 = arith.truncf %get3A_28 : vector<768x1024xf32> to vector<768x1024xbf16>
    %dot_general3A_30 = arith.constant dense<0.000000e+00> : vector<1024x768xf32>
    %dot_general3A_31 = tpu.matmul %convert_element_type3A_25, %convert_element_type3A_29, %dot_general3A_30 {dimension_numbers = #tpu.dot_dimension_numbers<[1], [1], [0], [0], [0, 0, 1, 0], [], []>, transpose_lhs_hint = false} : vector<1024x1024xbf16>, vector<768x1024xbf16>, vector<1024x768xf32> -> vector<1024x768xf32>
    %convert_element_type3A_32 = arith.truncf %dot_general3A_31 : vector<1024x768xf32> to vector<1024x768xbf16>
    %swap3A = arith.constant 0 : index
    %swap3A_33 = arith.constant 0 : index
    %swap3A_34 = vector.load %arg5[%swap3A, %swap3A_33] : memref<1024x768xbf16, #tpu.memory_space<vmem>>, vector<1024x768xbf16>
    tpu.vector_store %arg5[%swap3A, %swap3A_33], %convert_element_type3A_32 {strides = array<i32>} : memref<1024x768xbf16, #tpu.memory_space<vmem>>, vector<1024x768xbf16>,
    return
  }
  func.func @transform_0(%arg0: i32) -> (i32, i32) {
    %add3A = arith.constant 0 : i32
    %add3A_0 = arith.addi %arg0, %add3A : i32
    %c0_i32 = arith.constant 0 : i32
    %c0_i32_1 = arith.constant 0 : i32
    return %add3A_0, %c0_i32 : i32, i32
  }
  func.func @transform_1(%arg0: i32) -> (i32, i32) {
    %c0_i32 = arith.constant 0 : i32
    %c0_i32_0 = arith.constant 0 : i32
    %c0_i32_1 = arith.constant 0 : i32
    return %c0_i32, %c0_i32_0 : i32, i32
  }
  func.func @transform_2(%arg0: i32) -> (i32, i32) {
    %c0_i32 = arith.constant 0 : i32
    %c0_i32_0 = arith.constant 0 : i32
    %c0_i32_1 = arith.constant 0 : i32
    return %c0_i32, %c0_i32_0 : i32, i32
  }
  func.func @transform_3(%arg0: i32) -> (i32, i32) {
    %c0_i32 = arith.constant 0 : i32
    %c0_i32_0 = arith.constant 0 : i32
    %c0_i32_1 = arith.constant 0 : i32
    return %c0_i32, %c0_i32_0 : i32, i32
  }
  func.func @transform_4(%arg0: i32) -> (i32, i32) {
    %c0_i32 = arith.constant 0 : i32
    %c0_i32_0 = arith.constant 0 : i32
    return %arg0, %c0_i32 : i32, i32
  }
}

module attributes {stable_mosaic.version = 14 : i64} {
  func.func @_expert_body(%arg0: i32, %arg1: memref<320x384xi32, #tpu.memory_space<vmem>>, %arg2: memref<1x256x768xf32, #tpu.memory_space<vmem>>, %arg3: memref<1x256x768xf32, #tpu.memory_space<vmem>>, %arg4: memref<1x768x256xf32, #tpu.memory_space<vmem>>, %arg5: memref<320x384xi32, #tpu.memory_space<vmem>>) attributes {dimension_semantics = [#tpu.dimension_semantics<arbitrary>], iteration_bounds = array<i64: 65>, scalar_prefetch = 0 : i64, scratch_operands = 0 : i64, tpu.core_type = #tpu.core_type<tc>, window_params = [{transform_indices = @transform_0, window_bounds = array<i64: 320, 384>}, {transform_indices = @transform_1, window_bounds = array<i64: 1, 256, 768>}, {transform_indices = @transform_2, window_bounds = array<i64: 1, 256, 768>}, {transform_indices = @transform_3, window_bounds = array<i64: 1, 768, 256>}, {transform_indices = @transform_4, window_bounds = array<i64: 320, 384>}]} {
    %lt3A = arith.constant 64 : i32
    %lt3A_0 = arith.cmpi slt, %arg0, %lt3A : i32
    %convert_element_type3A = arith.extui %lt3A_0 : i1 to i32
    %cond3A = arith.constant 0 : i32
    %cond3A_1 = arith.cmpi ne, %convert_element_type3A, %cond3A : i32
    scf.if %cond3A_1 {
      %get3A = arith.constant 0 : index
      %get3A_6 = arith.constant 0 : index
      %get3A_7 = vector.load %arg1[%get3A, %get3A_6] : memref<320x384xi32, #tpu.memory_space<vmem>>, vector<320x384xi32>
      %and3A = arith.constant 65535 : i32
      %and3A_8 = vector.broadcast %and3A : i32 to vector<320x384xi32>
      %and3A_9 = arith.andi %get3A_7, %and3A_8 : vector<320x384xi32>
      %convert_element_type3A_10 = arith.trunci %and3A_9 : vector<320x384xi32> to vector<320x384xi16>
      %bitcast_convert_type3A = tpu.bitcast %convert_element_type3A_10 : vector<320x384xi16> -> vector<320x384xbf16>
      %shift_right_logical3A = arith.constant 16 : i32
      %shift_right_logical3A_11 = vector.broadcast %shift_right_logical3A : i32 to vector<320x384xi32>
      %shift_right_logical3A_12 = arith.shrui %get3A_7, %shift_right_logical3A_11 : vector<320x384xi32>
      %convert_element_type3A_13 = arith.trunci %shift_right_logical3A_12 : vector<320x384xi32> to vector<320x384xi16>
      %bitcast_convert_type3A_14 = tpu.bitcast %convert_element_type3A_13 : vector<320x384xi16> -> vector<320x384xbf16>
      %concatenate3A = tpu.concatenate %bitcast_convert_type3A, %bitcast_convert_type3A_14 in 1 : vector<320x384xbf16>, vector<320x384xbf16> -> vector<320x768xbf16>
      %get3A_15 = arith.constant 0 : index
      %get3A_16 = arith.constant 0 : index
      %get3A_17 = arith.constant 0 : index
      %get3A_18 = vector.load %arg2[%get3A_15, %get3A_16, %get3A_17] : memref<1x256x768xf32, #tpu.memory_space<vmem>>, vector<1x256x768xf32>
      %get3A_19 = vector.shape_cast %get3A_18 : vector<1x256x768xf32> to vector<256x768xf32>
      %convert_element_type3A_20 = arith.truncf %get3A_19 : vector<256x768xf32> to vector<256x768xbf16>
      %dot_general3A = arith.constant dense<0.000000e+00> : vector<320x256xf32>
      %dot_general3A_21 = tpu.matmul %concatenate3A, %convert_element_type3A_20, %dot_general3A {dimension_numbers = #tpu.dot_dimension_numbers<[1], [1], [0], [0], [0, 0, 1, 0], [], []>, transpose_lhs_hint = false} : vector<320x768xbf16>, vector<256x768xbf16>, vector<320x256xf32> -> vector<320x256xf32>
      %get3A_22 = arith.constant 0 : index
      %get3A_23 = arith.constant 0 : index
      %get3A_24 = arith.constant 0 : index
      %get3A_25 = vector.load %arg3[%get3A_22, %get3A_23, %get3A_24] : memref<1x256x768xf32, #tpu.memory_space<vmem>>, vector<1x256x768xf32>
      %get3A_26 = vector.shape_cast %get3A_25 : vector<1x256x768xf32> to vector<256x768xf32>
      %convert_element_type3A_27 = arith.truncf %get3A_26 : vector<256x768xf32> to vector<256x768xbf16>
      %dot_general3A_28 = arith.constant dense<0.000000e+00> : vector<320x256xf32>
      %dot_general3A_29 = tpu.matmul %concatenate3A, %convert_element_type3A_27, %dot_general3A_28 {dimension_numbers = #tpu.dot_dimension_numbers<[1], [1], [0], [0], [0, 0, 1, 0], [], []>, transpose_lhs_hint = false} : vector<320x768xbf16>, vector<256x768xbf16>, vector<320x256xf32> -> vector<320x256xf32>
      %logistic3A = arith.negf %dot_general3A_21 : vector<320x256xf32>
      %logistic3A_30 = math.exp %logistic3A : vector<320x256xf32>
      %logistic3A_31 = arith.constant 1.000000e+00 : f32
      %logistic3A_32 = vector.broadcast %logistic3A_31 : f32 to vector<320x256xf32>
      %logistic3A_33 = arith.addf %logistic3A_32, %logistic3A_30 : vector<320x256xf32>
      %logistic3A_34 = arith.divf %logistic3A_32, %logistic3A_33 : vector<320x256xf32>
      %mul3A = arith.mulf %dot_general3A_21, %logistic3A_34 : vector<320x256xf32>
      %mul3A_35 = arith.mulf %mul3A, %dot_general3A_29 : vector<320x256xf32>
      %convert_element_type3A_36 = arith.truncf %mul3A_35 : vector<320x256xf32> to vector<320x256xbf16>
      %get3A_37 = arith.constant 0 : index
      %get3A_38 = arith.constant 0 : index
      %get3A_39 = arith.constant 0 : index
      %get3A_40 = vector.load %arg4[%get3A_37, %get3A_38, %get3A_39] : memref<1x768x256xf32, #tpu.memory_space<vmem>>, vector<1x768x256xf32>
      %get3A_41 = vector.shape_cast %get3A_40 : vector<1x768x256xf32> to vector<768x256xf32>
      %convert_element_type3A_42 = arith.truncf %get3A_41 : vector<768x256xf32> to vector<768x256xbf16>
      %dot_general3A_43 = arith.constant dense<0.000000e+00> : vector<320x768xf32>
      %dot_general3A_44 = tpu.matmul %convert_element_type3A_36, %convert_element_type3A_42, %dot_general3A_43 {dimension_numbers = #tpu.dot_dimension_numbers<[1], [1], [0], [0], [0, 0, 1, 0], [], []>, transpose_lhs_hint = false} : vector<320x256xbf16>, vector<768x256xbf16>, vector<320x768xf32> -> vector<320x768xf32>
      %convert_element_type3A_45 = arith.truncf %dot_general3A_44 : vector<320x768xf32> to vector<320x768xbf16>
      %slice3A = vector.extract_strided_slice %convert_element_type3A_45 {offsets = [0, 0], sizes = [320, 384], strides = [1, 1]} : vector<320x768xbf16> to vector<320x384xbf16>
      %bitcast_convert_type3A_46 = tpu.bitcast %slice3A : vector<320x384xbf16> -> vector<320x384xi16>
      %slice3A_47 = vector.extract_strided_slice %convert_element_type3A_45 {offsets = [0, 384], sizes = [320, 384], strides = [1, 1]} : vector<320x768xbf16> to vector<320x384xbf16>
      %bitcast_convert_type3A_48 = tpu.bitcast %slice3A_47 : vector<320x384xbf16> -> vector<320x384xi16>
      %convert_element_type3A_49 = arith.extui %bitcast_convert_type3A_46 : vector<320x384xi16> to vector<320x384xi32>
      %convert_element_type3A_50 = arith.extui %bitcast_convert_type3A_48 : vector<320x384xi16> to vector<320x384xi32>
      %shift_left3A = arith.constant 16 : i32
      %shift_left3A_51 = vector.broadcast %shift_left3A : i32 to vector<320x384xi32>
      %shift_left3A_52 = arith.shli %convert_element_type3A_50, %shift_left3A_51 : vector<320x384xi32>
      %or3A = arith.ori %convert_element_type3A_49, %shift_left3A_52 : vector<320x384xi32>
      %swap3A = arith.constant 0 : index
      %swap3A_53 = arith.constant 0 : index
      %swap3A_54 = vector.load %arg5[%swap3A, %swap3A_53] : memref<320x384xi32, #tpu.memory_space<vmem>>, vector<320x384xi32>
      tpu.vector_store %arg5[%swap3A, %swap3A_53], %or3A {strides = array<i32>} : memref<320x384xi32, #tpu.memory_space<vmem>>, vector<320x384xi32>,
    } else {
    }
    %eq3A = arith.constant 64 : i32
    %eq3A_2 = arith.cmpi eq, %arg0, %eq3A : i32
    %convert_element_type3A_3 = arith.extui %eq3A_2 : i1 to i32
    %cond3A_4 = arith.constant 0 : i32
    %cond3A_5 = arith.cmpi ne, %convert_element_type3A_3, %cond3A_4 : i32
    scf.if %cond3A_5 {
      %broadcast_in_dim3A = arith.constant 0 : i32
      %broadcast_in_dim3A_6 = vector.broadcast %broadcast_in_dim3A : i32 to vector<320x384xi32>
      %swap3A = arith.constant 0 : index
      %swap3A_7 = arith.constant 0 : index
      %swap3A_8 = vector.load %arg5[%swap3A, %swap3A_7] : memref<320x384xi32, #tpu.memory_space<vmem>>, vector<320x384xi32>
      tpu.vector_store %arg5[%swap3A, %swap3A_7], %broadcast_in_dim3A_6 {strides = array<i32>} : memref<320x384xi32, #tpu.memory_space<vmem>>, vector<320x384xi32>,
    } else {
    }
    return
  }
  func.func @transform_0(%arg0: i32) -> (i32, i32) {
    %c0_i32 = arith.constant 0 : i32
    %c0_i32_0 = arith.constant 0 : i32
    return %arg0, %c0_i32 : i32, i32
  }
  func.func @transform_1(%arg0: i32) -> (i32, i32, i32) {
    %min3A = arith.constant 63 : i32
    %min3A_0 = arith.minsi %arg0, %min3A : i32
    %c0_i32 = arith.constant 0 : i32
    %c0_i32_1 = arith.constant 0 : i32
    %c0_i32_2 = arith.constant 0 : i32
    return %min3A_0, %c0_i32, %c0_i32_1 : i32, i32, i32
  }
  func.func @transform_2(%arg0: i32) -> (i32, i32, i32) {
    %min3A = arith.constant 63 : i32
    %min3A_0 = arith.minsi %arg0, %min3A : i32
    %c0_i32 = arith.constant 0 : i32
    %c0_i32_1 = arith.constant 0 : i32
    %c0_i32_2 = arith.constant 0 : i32
    return %min3A_0, %c0_i32, %c0_i32_1 : i32, i32, i32
  }
  func.func @transform_3(%arg0: i32) -> (i32, i32, i32) {
    %min3A = arith.constant 63 : i32
    %min3A_0 = arith.minsi %arg0, %min3A : i32
    %c0_i32 = arith.constant 0 : i32
    %c0_i32_1 = arith.constant 0 : i32
    %c0_i32_2 = arith.constant 0 : i32
    return %min3A_0, %c0_i32, %c0_i32_1 : i32, i32, i32
  }
  func.func @transform_4(%arg0: i32) -> (i32, i32) {
    %c0_i32 = arith.constant 0 : i32
    %c0_i32_0 = arith.constant 0 : i32
    return %arg0, %c0_i32 : i32, i32
  }
}

module attributes {stable_mosaic.version = 14 : i64} {
  func.func @_router_body(%arg0: i32, %arg1: memref<2048x768xf32, #tpu.memory_space<vmem>>, %arg2: memref<64x768xf32, #tpu.memory_space<vmem>>, %arg3: memref<2x2048xi32, #tpu.memory_space<vmem>>, %arg4: memref<2048x2xf32, #tpu.memory_space<vmem>>, %arg5: memref<2048x384xi32, #tpu.memory_space<vmem>>, %arg6: memref<64x1xf32, #tpu.memory_space<vmem>>) attributes {dimension_semantics = [#tpu.dimension_semantics<arbitrary>], iteration_bounds = array<i64: 4>, scalar_prefetch = 0 : i64, scratch_operands = 1 : i64, tpu.core_type = #tpu.core_type<tc>, window_params = [{transform_indices = @transform_0, window_bounds = array<i64: 2048, 768>}, {pipeline_mode = #tpu.pipeline_mode<synchronous>, transform_indices = @transform_1, window_bounds = array<i64: 64, 768>}, {transform_indices = @transform_2, window_bounds = array<i64: 2, 2048>}, {transform_indices = @transform_3, window_bounds = array<i64: 2048, 2>}, {transform_indices = @transform_4, window_bounds = array<i64: 2048, 384>}]} {
    %eq3A = arith.constant 0 : i32
    %eq3A_0 = arith.cmpi eq, %arg0, %eq3A : i32
    %convert_element_type3A = arith.extui %eq3A_0 : i1 to i32
    %cond3A = arith.constant 0 : i32
    %cond3A_1 = arith.cmpi ne, %convert_element_type3A, %cond3A : i32
    scf.if %cond3A_1 {
      %broadcast_in_dim3A_139 = arith.constant 0.000000e+00 : f32
      %broadcast_in_dim3A_140 = vector.broadcast %broadcast_in_dim3A_139 : f32 to vector<64x1xf32>
      %swap3A_141 = arith.constant 0 : index
      %swap3A_142 = arith.constant 0 : index
      %swap3A_143 = vector.load %arg6[%swap3A_141, %swap3A_142] : memref<64x1xf32, #tpu.memory_space<vmem>>, vector<64x1xf32>
      tpu.vector_store %arg6[%swap3A_141, %swap3A_142], %broadcast_in_dim3A_140 {strides = array<i32>} : memref<64x1xf32, #tpu.memory_space<vmem>>, vector<64x1xf32>,
    } else {
    }
    %get3A = arith.constant 0 : index
    %get3A_2 = arith.constant 0 : index
    %get3A_3 = vector.load %arg1[%get3A, %get3A_2] : memref<2048x768xf32, #tpu.memory_space<vmem>>, vector<2048x768xf32>
    %get3A_4 = arith.constant 0 : index
    %get3A_5 = arith.constant 0 : index
    %get3A_6 = vector.load %arg2[%get3A_4, %get3A_5] : memref<64x768xf32, #tpu.memory_space<vmem>>, vector<64x768xf32>
    %dot_general3A = arith.constant dense<0.000000e+00> : vector<2048x64xf32>
    %dot_general3A_7 = tpu.matmul %get3A_3, %get3A_6, %dot_general3A {dimension_numbers = #tpu.dot_dimension_numbers<[1], [1], [0], [0], [0, 0, 1, 0], [], []>, transpose_lhs_hint = false} : vector<2048x768xf32>, vector<64x768xf32>, vector<2048x64xf32> -> vector<2048x64xf32>
    %reduce_max3A = arith.constant dense<0xFF800000> : vector<2048xf32>
    %reduce_max3A_8 = vector.multi_reduction <maximumf>, %dot_general3A_7, %reduce_max3A [1] : vector<2048x64xf32> to vector<2048xf32>
    %broadcast_in_dim3A = vector.shape_cast %reduce_max3A_8 : vector<2048xf32> to vector<2048x1xf32>
    %iota3A = tpu.iota {dimensions = array<i32: 1>} : vector<2048x64xi32>
    %eq3A_9 = vector.broadcast %broadcast_in_dim3A : vector<2048x1xf32> to vector<2048x64xf32>
    %eq3A_10 = arith.cmpf oeq, %dot_general3A_7, %eq3A_9 : vector<2048x64xf32>
    %jit3A = arith.constant 64 : i32
    %broadcast_in_dim3A_11 = vector.broadcast %jit3A : i32 to vector<2048x64xi32>
    %select_n3A = arith.select %eq3A_10, %iota3A, %broadcast_in_dim3A_11 : vector<2048x64xi1>, vector<2048x64xi32>
    %reduce_min3A = arith.constant dense<2147483647> : vector<2048xi32>
    %reduce_min3A_12 = vector.multi_reduction <minsi>, %select_n3A, %reduce_min3A [1] : vector<2048x64xi32> to vector<2048xi32>
    %broadcast_in_dim3A_13 = vector.shape_cast %reduce_min3A_12 : vector<2048xi32> to vector<2048x1xi32>
    %eq3A_14 = vector.broadcast %broadcast_in_dim3A_13 : vector<2048x1xi32> to vector<2048x64xi32>
    %eq3A_15 = arith.cmpi eq, %iota3A, %eq3A_14 : vector<2048x64xi32>
    %jit3A_16 = arith.constant 0xFF800000 : f32
    %broadcast_in_dim3A_17 = vector.broadcast %jit3A_16 : f32 to vector<2048x64xf32>
    %select_n3A_18 = arith.select %eq3A_15, %broadcast_in_dim3A_17, %dot_general3A_7 : vector<2048x64xi1>, vector<2048x64xf32>
    %reduce_max3A_19 = arith.constant dense<0xFF800000> : vector<2048xf32>
    %reduce_max3A_20 = vector.multi_reduction <maximumf>, %select_n3A_18, %reduce_max3A_19 [1] : vector<2048x64xf32> to vector<2048xf32>
    %broadcast_in_dim3A_21 = vector.shape_cast %reduce_max3A_20 : vector<2048xf32> to vector<2048x1xf32>
    %sub3A = arith.subf %broadcast_in_dim3A, %broadcast_in_dim3A_21 : vector<2048x1xf32>
    %logistic3A = arith.negf %sub3A : vector<2048x1xf32>
    %logistic3A_22 = math.exp %logistic3A : vector<2048x1xf32>
    %logistic3A_23 = arith.constant 1.000000e+00 : f32
    %logistic3A_24 = vector.broadcast %logistic3A_23 : f32 to vector<2048x1xf32>
    %logistic3A_25 = arith.addf %logistic3A_24, %logistic3A_22 : vector<2048x1xf32>
    %logistic3A_26 = arith.divf %logistic3A_24, %logistic3A_25 : vector<2048x1xf32>
    %sub3A_27 = arith.subf %broadcast_in_dim3A_21, %broadcast_in_dim3A : vector<2048x1xf32>
    %logistic3A_28 = arith.negf %sub3A_27 : vector<2048x1xf32>
    %logistic3A_29 = math.exp %logistic3A_28 : vector<2048x1xf32>
    %logistic3A_30 = arith.constant 1.000000e+00 : f32
    %logistic3A_31 = vector.broadcast %logistic3A_30 : f32 to vector<2048x1xf32>
    %logistic3A_32 = arith.addf %logistic3A_31, %logistic3A_29 : vector<2048x1xf32>
    %logistic3A_33 = arith.divf %logistic3A_31, %logistic3A_32 : vector<2048x1xf32>
    %concatenate3A = tpu.concatenate %logistic3A_26, %logistic3A_33 in 1 : vector<2048x1xf32>, vector<2048x1xf32> -> vector<2048x2xf32>
    %swap3A = arith.constant 0 : index
    %swap3A_34 = arith.constant 0 : index
    %swap3A_35 = vector.load %arg4[%swap3A, %swap3A_34] : memref<2048x2xf32, #tpu.memory_space<vmem>>, vector<2048x2xf32>
    tpu.vector_store %arg4[%swap3A, %swap3A_34], %concatenate3A {strides = array<i32>} : memref<2048x2xf32, #tpu.memory_space<vmem>>, vector<2048x2xf32>,
    %dot_general3A_36 = arith.constant dense<0.000000e+00> : vector<64x2048xf32>
    %dot_general3A_37 = tpu.matmul %get3A_6, %get3A_3, %dot_general3A_36 {dimension_numbers = #tpu.dot_dimension_numbers<[1], [1], [0], [0], [0, 0, 1, 0], [], []>, transpose_lhs_hint = false} : vector<64x768xf32>, vector<2048x768xf32>, vector<64x2048xf32> -> vector<64x2048xf32>
    %iota3A_38 = tpu.iota {dimensions = array<i32: 0>} : vector<64x2048xi32>
    %reduce_max3A_39 = arith.constant dense<0xFF800000> : vector<2048xf32>
    %reduce_max3A_40 = vector.multi_reduction <maximumf>, %dot_general3A_37, %reduce_max3A_39 [0] : vector<64x2048xf32> to vector<2048xf32>
    %broadcast_in_dim3A_41 = vector.shape_cast %reduce_max3A_40 : vector<2048xf32> to vector<1x2048xf32>
    %eq3A_42 = vector.broadcast %broadcast_in_dim3A_41 : vector<1x2048xf32> to vector<64x2048xf32>
    %eq3A_43 = arith.cmpf oeq, %dot_general3A_37, %eq3A_42 : vector<64x2048xf32>
    %jit3A_44 = arith.constant 64 : i32
    %broadcast_in_dim3A_45 = vector.broadcast %jit3A_44 : i32 to vector<64x2048xi32>
    %select_n3A_46 = arith.select %eq3A_43, %iota3A_38, %broadcast_in_dim3A_45 : vector<64x2048xi1>, vector<64x2048xi32>
    %reduce_min3A_47 = arith.constant dense<2147483647> : vector<2048xi32>
    %reduce_min3A_48 = vector.multi_reduction <minsi>, %select_n3A_46, %reduce_min3A_47 [0] : vector<64x2048xi32> to vector<2048xi32>
    %broadcast_in_dim3A_49 = vector.shape_cast %reduce_min3A_48 : vector<2048xi32> to vector<1x2048xi32>
    %eq3A_50 = vector.broadcast %broadcast_in_dim3A_49 : vector<1x2048xi32> to vector<64x2048xi32>
    %eq3A_51 = arith.cmpi eq, %iota3A_38, %eq3A_50 : vector<64x2048xi32>
    %convert_element_type3A_52 = arith.extui %eq3A_51 : vector<64x2048xi1> to vector<64x2048xi32>
    %convert_element_type3A_53 = arith.sitofp %convert_element_type3A_52 : vector<64x2048xi32> to vector<64x2048xf32>
    %gt3A = arith.constant 0.000000e+00 : f32
    %gt3A_54 = vector.broadcast %gt3A : f32 to vector<64x2048xf32>
    %gt3A_55 = arith.cmpf ogt, %convert_element_type3A_53, %gt3A_54 : vector<64x2048xf32>
    %jit3A_56 = arith.constant 0xFF800000 : f32
    %broadcast_in_dim3A_57 = vector.broadcast %jit3A_56 : f32 to vector<64x2048xf32>
    %select_n3A_58 = arith.select %gt3A_55, %broadcast_in_dim3A_57, %dot_general3A_37 : vector<64x2048xi1>, vector<64x2048xf32>
    %reduce_max3A_59 = arith.constant dense<0xFF800000> : vector<2048xf32>
    %reduce_max3A_60 = vector.multi_reduction <maximumf>, %select_n3A_58, %reduce_max3A_59 [0] : vector<64x2048xf32> to vector<2048xf32>
    %broadcast_in_dim3A_61 = vector.shape_cast %reduce_max3A_60 : vector<2048xf32> to vector<1x2048xf32>
    %eq3A_62 = vector.broadcast %broadcast_in_dim3A_61 : vector<1x2048xf32> to vector<64x2048xf32>
    %eq3A_63 = arith.cmpf oeq, %select_n3A_58, %eq3A_62 : vector<64x2048xf32>
    %jit3A_64 = arith.constant 64 : i32
    %broadcast_in_dim3A_65 = vector.broadcast %jit3A_64 : i32 to vector<64x2048xi32>
    %select_n3A_66 = arith.select %eq3A_63, %iota3A_38, %broadcast_in_dim3A_65 : vector<64x2048xi1>, vector<64x2048xi32>
    %reduce_min3A_67 = arith.constant dense<2147483647> : vector<2048xi32>
    %reduce_min3A_68 = vector.multi_reduction <minsi>, %select_n3A_66, %reduce_min3A_67 [0] : vector<64x2048xi32> to vector<2048xi32>
    %broadcast_in_dim3A_69 = vector.shape_cast %reduce_min3A_68 : vector<2048xi32> to vector<1x2048xi32>
    %eq3A_70 = vector.broadcast %broadcast_in_dim3A_69 : vector<1x2048xi32> to vector<64x2048xi32>
    %eq3A_71 = arith.cmpi eq, %iota3A_38, %eq3A_70 : vector<64x2048xi32>
    %convert_element_type3A_72 = arith.extui %eq3A_71 : vector<64x2048xi1> to vector<64x2048xi32>
    %convert_element_type3A_73 = arith.sitofp %convert_element_type3A_72 : vector<64x2048xi32> to vector<64x2048xf32>
    %add3A = arith.addf %convert_element_type3A_53, %convert_element_type3A_73 : vector<64x2048xf32>
    %iota3A_74 = tpu.iota {dimensions = array<i32: 0>} : vector<2048x2048xi32>
    %iota3A_75 = tpu.iota {dimensions = array<i32: 1>} : vector<2048x2048xi32>
    %lt3A = arith.cmpi slt, %iota3A_74, %iota3A_75 : vector<2048x2048xi32>
    %convert_element_type3A_76 = arith.extui %lt3A : vector<2048x2048xi1> to vector<2048x2048xi32>
    %convert_element_type3A_77 = arith.sitofp %convert_element_type3A_76 : vector<2048x2048xi32> to vector<2048x2048xf32>
    %dot_general3A_78 = arith.constant dense<0.000000e+00> : vector<64x2048xf32>
    %dot_general3A_79 = tpu.matmul %add3A, %convert_element_type3A_77, %dot_general3A_78 {dimension_numbers = #tpu.dot_dimension_numbers<[1], [0], [0], [1], [0, 0, 1, 1], [], []>, transpose_lhs_hint = false} : vector<64x2048xf32>, vector<2048x2048xf32>, vector<64x2048xf32> -> vector<64x2048xf32>
    %get3A_80 = arith.constant 0 : index
    %get3A_81 = arith.constant 0 : index
    %get3A_82 = vector.load %arg6[%get3A_80, %get3A_81] : memref<64x1xf32, #tpu.memory_space<vmem>>, vector<64x1xf32>
    %add3A_83 = vector.broadcast %get3A_82 : vector<64x1xf32> to vector<64x2048xf32>
    %add3A_84 = arith.addf %dot_general3A_79, %add3A_83 : vector<64x2048xf32>
    %get3A_85 = arith.constant 0 : index
    %get3A_86 = arith.constant 0 : index
    %get3A_87 = vector.load %arg6[%get3A_85, %get3A_86] : memref<64x1xf32, #tpu.memory_space<vmem>>, vector<64x1xf32>
    %reduce_sum3A = arith.constant dense<0.000000e+00> : vector<64xf32>
    %reduce_sum3A_88 = vector.multi_reduction <add>, %add3A, %reduce_sum3A [1] : vector<64x2048xf32> to vector<64xf32>
    %broadcast_in_dim3A_89 = vector.shape_cast %reduce_sum3A_88 : vector<64xf32> to vector<64x1xf32>
    %add3A_90 = arith.addf %get3A_87, %broadcast_in_dim3A_89 : vector<64x1xf32>
    %swap3A_91 = arith.constant 0 : index
    %swap3A_92 = arith.constant 0 : index
    %swap3A_93 = vector.load %arg6[%swap3A_91, %swap3A_92] : memref<64x1xf32, #tpu.memory_space<vmem>>, vector<64x1xf32>
    tpu.vector_store %arg6[%swap3A_91, %swap3A_92], %add3A_90 {strides = array<i32>} : memref<64x1xf32, #tpu.memory_space<vmem>>, vector<64x1xf32>,
    %mul3A = arith.mulf %add3A_84, %convert_element_type3A_53 : vector<64x2048xf32>
    %reduce_sum3A_94 = arith.constant dense<0.000000e+00> : vector<2048xf32>
    %reduce_sum3A_95 = vector.multi_reduction <add>, %mul3A, %reduce_sum3A_94 [0] : vector<64x2048xf32> to vector<2048xf32>
    %broadcast_in_dim3A_96 = vector.shape_cast %reduce_sum3A_95 : vector<2048xf32> to vector<1x2048xf32>
    %mul3A_97 = arith.mulf %add3A_84, %convert_element_type3A_73 : vector<64x2048xf32>
    %reduce_sum3A_98 = arith.constant dense<0.000000e+00> : vector<2048xf32>
    %reduce_sum3A_99 = vector.multi_reduction <add>, %mul3A_97, %reduce_sum3A_98 [0] : vector<64x2048xf32> to vector<2048xf32>
    %broadcast_in_dim3A_100 = vector.shape_cast %reduce_sum3A_99 : vector<2048xf32> to vector<1x2048xf32>
    %convert_element_type3A_101 = arith.sitofp %broadcast_in_dim3A_49 : vector<1x2048xi32> to vector<1x2048xf32>
    %mul3A_102 = arith.constant 3.200000e+02 : f32
    %mul3A_103 = vector.broadcast %mul3A_102 : f32 to vector<1x2048xf32>
    %mul3A_104 = arith.mulf %convert_element_type3A_101, %mul3A_103 : vector<1x2048xf32>
    %add3A_105 = arith.addf %mul3A_104, %broadcast_in_dim3A_96 : vector<1x2048xf32>
    %convert_element_type3A_106 = arith.sitofp %broadcast_in_dim3A_69 : vector<1x2048xi32> to vector<1x2048xf32>
    %mul3A_107 = arith.constant 3.200000e+02 : f32
    %mul3A_108 = vector.broadcast %mul3A_107 : f32 to vector<1x2048xf32>
    %mul3A_109 = arith.mulf %convert_element_type3A_106, %mul3A_108 : vector<1x2048xf32>
    %add3A_110 = arith.addf %mul3A_109, %broadcast_in_dim3A_100 : vector<1x2048xf32>
    %lt3A_111 = arith.constant 3.200000e+02 : f32
    %lt3A_112 = vector.broadcast %lt3A_111 : f32 to vector<1x2048xf32>
    %lt3A_113 = arith.cmpf olt, %broadcast_in_dim3A_96, %lt3A_112 : vector<1x2048xf32>
    %jit3A_114 = arith.constant 2.048000e+04 : f32
    %broadcast_in_dim3A_115 = vector.broadcast %jit3A_114 : f32 to vector<1x2048xf32>
    %select_n3A_116 = arith.select %lt3A_113, %add3A_105, %broadcast_in_dim3A_115 : vector<1x2048xi1>, vector<1x2048xf32>
    %convert_element_type3A_117 = arith.fptosi %select_n3A_116 : vector<1x2048xf32> to vector<1x2048xi32>
    %lt3A_118 = arith.constant 3.200000e+02 : f32
    %lt3A_119 = vector.broadcast %lt3A_118 : f32 to vector<1x2048xf32>
    %lt3A_120 = arith.cmpf olt, %broadcast_in_dim3A_100, %lt3A_119 : vector<1x2048xf32>
    %jit3A_121 = arith.constant 2.048000e+04 : f32
    %broadcast_in_dim3A_122 = vector.broadcast %jit3A_121 : f32 to vector<1x2048xf32>
    %select_n3A_123 = arith.select %lt3A_120, %add3A_110, %broadcast_in_dim3A_122 : vector<1x2048xi1>, vector<1x2048xf32>
    %convert_element_type3A_124 = arith.fptosi %select_n3A_123 : vector<1x2048xf32> to vector<1x2048xi32>
    %concatenate3A_125 = tpu.concatenate %convert_element_type3A_117, %convert_element_type3A_124 in 0 : vector<1x2048xi32>, vector<1x2048xi32> -> vector<2x2048xi32>
    %swap3A_126 = arith.constant 0 : index
    %swap3A_127 = arith.constant 0 : index
    %swap3A_128 = vector.load %arg3[%swap3A_126, %swap3A_127] : memref<2x2048xi32, #tpu.memory_space<vmem>>, vector<2x2048xi32>
    tpu.vector_store %arg3[%swap3A_126, %swap3A_127], %concatenate3A_125 {strides = array<i32>} : memref<2x2048xi32, #tpu.memory_space<vmem>>, vector<2x2048xi32>,
    %convert_element_type3A_129 = arith.truncf %get3A_3 : vector<2048x768xf32> to vector<2048x768xbf16>
    %slice3A = vector.extract_strided_slice %convert_element_type3A_129 {offsets = [0, 0], sizes = [2048, 384], strides = [1, 1]} : vector<2048x768xbf16> to vector<2048x384xbf16>
    %bitcast_convert_type3A = tpu.bitcast %slice3A : vector<2048x384xbf16> -> vector<2048x384xi16>
    %slice3A_130 = vector.extract_strided_slice %convert_element_type3A_129 {offsets = [0, 384], sizes = [2048, 384], strides = [1, 1]} : vector<2048x768xbf16> to vector<2048x384xbf16>
    %bitcast_convert_type3A_131 = tpu.bitcast %slice3A_130 : vector<2048x384xbf16> -> vector<2048x384xi16>
    %convert_element_type3A_132 = arith.extui %bitcast_convert_type3A : vector<2048x384xi16> to vector<2048x384xi32>
    %convert_element_type3A_133 = arith.extui %bitcast_convert_type3A_131 : vector<2048x384xi16> to vector<2048x384xi32>
    %shift_left3A = arith.constant 16 : i32
    %shift_left3A_134 = vector.broadcast %shift_left3A : i32 to vector<2048x384xi32>
    %shift_left3A_135 = arith.shli %convert_element_type3A_133, %shift_left3A_134 : vector<2048x384xi32>
    %or3A = arith.ori %convert_element_type3A_132, %shift_left3A_135 : vector<2048x384xi32>
    %swap3A_136 = arith.constant 0 : index
    %swap3A_137 = arith.constant 0 : index
    %swap3A_138 = vector.load %arg5[%swap3A_136, %swap3A_137] : memref<2048x384xi32, #tpu.memory_space<vmem>>, vector<2048x384xi32>
    tpu.vector_store %arg5[%swap3A_136, %swap3A_137], %or3A {strides = array<i32>} : memref<2048x384xi32, #tpu.memory_space<vmem>>, vector<2048x384xi32>,
    return
  }
  func.func @transform_0(%arg0: i32) -> (i32, i32) {
    %c0_i32 = arith.constant 0 : i32
    %c0_i32_0 = arith.constant 0 : i32
    return %arg0, %c0_i32 : i32, i32
  }
  func.func @transform_1(%arg0: i32) -> (i32, i32) {
    %c0_i32 = arith.constant 0 : i32
    %c0_i32_0 = arith.constant 0 : i32
    %c0_i32_1 = arith.constant 0 : i32
    return %c0_i32, %c0_i32_0 : i32, i32
  }
  func.func @transform_2(%arg0: i32) -> (i32, i32) {
    %c0_i32 = arith.constant 0 : i32
    %c0_i32_0 = arith.constant 0 : i32
    return %c0_i32, %arg0 : i32, i32
  }
  func.func @transform_3(%arg0: i32) -> (i32, i32) {
    %c0_i32 = arith.constant 0 : i32
    %c0_i32_0 = arith.constant 0 : i32
    return %arg0, %c0_i32 : i32, i32
  }
  func.func @transform_4(%arg0: i32) -> (i32, i32) {
    %c0_i32 = arith.constant 0 : i32
    %c0_i32_0 = arith.constant 0 : i32
    return %arg0, %c0_i32 : i32, i32
  }
}

module attributes {stable_mosaic.version = 14 : i64} {
  func.func @_final_body(%arg0: i32, %arg1: memref<512x768xbf16, #tpu.memory_space<vmem>>, %arg2: memref<512x768xbf16, #tpu.memory_space<vmem>>, %arg3: memref<512x384xi32, #tpu.memory_space<vmem>>, %arg4: memref<512x384xi32, #tpu.memory_space<vmem>>, %arg5: memref<512x2xf32, #tpu.memory_space<vmem>>, %arg6: memref<512x768xf32, #tpu.memory_space<vmem>>) attributes {dimension_semantics = [#tpu.dimension_semantics<arbitrary>], iteration_bounds = array<i64: 16>, scalar_prefetch = 0 : i64, scratch_operands = 0 : i64, tpu.core_type = #tpu.core_type<tc>, window_params = [{transform_indices = @transform_0, window_bounds = array<i64: 512, 768>}, {transform_indices = @transform_1, window_bounds = array<i64: 512, 768>}, {transform_indices = @transform_2, window_bounds = array<i64: 512, 384>}, {transform_indices = @transform_3, window_bounds = array<i64: 512, 384>}, {transform_indices = @transform_4, window_bounds = array<i64: 512, 2>}, {transform_indices = @transform_5, window_bounds = array<i64: 512, 768>}]} {
    %get3A = arith.constant 0 : index
    %get3A_0 = arith.constant 0 : index
    %get3A_1 = vector.load %arg3[%get3A, %get3A_0] : memref<512x384xi32, #tpu.memory_space<vmem>>, vector<512x384xi32>
    %and3A = arith.constant 65535 : i32
    %and3A_2 = vector.broadcast %and3A : i32 to vector<512x384xi32>
    %and3A_3 = arith.andi %get3A_1, %and3A_2 : vector<512x384xi32>
    %convert_element_type3A = arith.trunci %and3A_3 : vector<512x384xi32> to vector<512x384xi16>
    %bitcast_convert_type3A = tpu.bitcast %convert_element_type3A : vector<512x384xi16> -> vector<512x384xbf16>
    %shift_right_logical3A = arith.constant 16 : i32
    %shift_right_logical3A_4 = vector.broadcast %shift_right_logical3A : i32 to vector<512x384xi32>
    %shift_right_logical3A_5 = arith.shrui %get3A_1, %shift_right_logical3A_4 : vector<512x384xi32>
    %convert_element_type3A_6 = arith.trunci %shift_right_logical3A_5 : vector<512x384xi32> to vector<512x384xi16>
    %bitcast_convert_type3A_7 = tpu.bitcast %convert_element_type3A_6 : vector<512x384xi16> -> vector<512x384xbf16>
    %concatenate3A = tpu.concatenate %bitcast_convert_type3A, %bitcast_convert_type3A_7 in 1 : vector<512x384xbf16>, vector<512x384xbf16> -> vector<512x768xbf16>
    %convert_element_type3A_8 = arith.extf %concatenate3A : vector<512x768xbf16> to vector<512x768xf32>
    %get3A_9 = arith.constant 0 : index
    %get3A_10 = arith.constant 0 : index
    %get3A_11 = vector.load %arg4[%get3A_9, %get3A_10] : memref<512x384xi32, #tpu.memory_space<vmem>>, vector<512x384xi32>
    %and3A_12 = arith.constant 65535 : i32
    %and3A_13 = vector.broadcast %and3A_12 : i32 to vector<512x384xi32>
    %and3A_14 = arith.andi %get3A_11, %and3A_13 : vector<512x384xi32>
    %convert_element_type3A_15 = arith.trunci %and3A_14 : vector<512x384xi32> to vector<512x384xi16>
    %bitcast_convert_type3A_16 = tpu.bitcast %convert_element_type3A_15 : vector<512x384xi16> -> vector<512x384xbf16>
    %shift_right_logical3A_17 = arith.constant 16 : i32
    %shift_right_logical3A_18 = vector.broadcast %shift_right_logical3A_17 : i32 to vector<512x384xi32>
    %shift_right_logical3A_19 = arith.shrui %get3A_11, %shift_right_logical3A_18 : vector<512x384xi32>
    %convert_element_type3A_20 = arith.trunci %shift_right_logical3A_19 : vector<512x384xi32> to vector<512x384xi16>
    %bitcast_convert_type3A_21 = tpu.bitcast %convert_element_type3A_20 : vector<512x384xi16> -> vector<512x384xbf16>
    %concatenate3A_22 = tpu.concatenate %bitcast_convert_type3A_16, %bitcast_convert_type3A_21 in 1 : vector<512x384xbf16>, vector<512x384xbf16> -> vector<512x768xbf16>
    %convert_element_type3A_23 = arith.extf %concatenate3A_22 : vector<512x768xbf16> to vector<512x768xf32>
    %get3A_24 = arith.constant 0 : index
    %get3A_25 = arith.constant 0 : index
    %get3A_26 = vector.load %arg5[%get3A_24, %get3A_25] : memref<512x2xf32, #tpu.memory_space<vmem>>, vector<512x1xf32>
    %get3A_27 = arith.constant 0 : index
    %get3A_28 = arith.constant 1 : index
    %get3A_29 = vector.load %arg5[%get3A_27, %get3A_28] : memref<512x2xf32, #tpu.memory_space<vmem>>, vector<512x1xf32>
    %lt3A = arith.constant 6 : i32
    %lt3A_30 = arith.cmpi slt, %arg0, %lt3A : i32
    %get3A_31 = arith.constant 0 : index
    %get3A_32 = arith.constant 0 : index
    %get3A_33 = vector.load %arg1[%get3A_31, %get3A_32] : memref<512x768xbf16, #tpu.memory_space<vmem>>, vector<512x768xbf16>
    %get3A_34 = arith.constant 0 : index
    %get3A_35 = arith.constant 0 : index
    %get3A_36 = vector.load %arg2[%get3A_34, %get3A_35] : memref<512x768xbf16, #tpu.memory_space<vmem>>, vector<512x768xbf16>
    %select_n3A = arith.select %lt3A_30, %get3A_33, %get3A_36 : vector<512x768xbf16>
    %convert_element_type3A_37 = arith.extf %select_n3A : vector<512x768xbf16> to vector<512x768xf32>
    %mul3A = vector.broadcast %get3A_26 : vector<512x1xf32> to vector<512x768xf32>
    %mul3A_38 = arith.mulf %mul3A, %convert_element_type3A_8 : vector<512x768xf32>
    %add3A = arith.addf %convert_element_type3A_37, %mul3A_38 : vector<512x768xf32>
    %mul3A_39 = vector.broadcast %get3A_29 : vector<512x1xf32> to vector<512x768xf32>
    %mul3A_40 = arith.mulf %mul3A_39, %convert_element_type3A_23 : vector<512x768xf32>
    %add3A_41 = arith.addf %add3A, %mul3A_40 : vector<512x768xf32>
    %swap3A = arith.constant 0 : index
    %swap3A_42 = arith.constant 0 : index
    %swap3A_43 = vector.load %arg6[%swap3A, %swap3A_42] : memref<512x768xf32, #tpu.memory_space<vmem>>, vector<512x768xf32>
    tpu.vector_store %arg6[%swap3A, %swap3A_42], %add3A_41 {strides = array<i32>} : memref<512x768xf32, #tpu.memory_space<vmem>>, vector<512x768xf32>,
    return
  }
  func.func @transform_0(%arg0: i32) -> (i32, i32) {
    %min3A = arith.constant 5 : i32
    %min3A_0 = arith.minsi %arg0, %min3A : i32
    %c0_i32 = arith.constant 0 : i32
    %c0_i32_1 = arith.constant 0 : i32
    return %min3A_0, %c0_i32 : i32, i32
  }
  func.func @transform_1(%arg0: i32) -> (i32, i32) {
    %sub3A = arith.constant 6 : i32
    %sub3A_0 = arith.subi %arg0, %sub3A : i32
    %max3A = arith.constant 0 : i32
    %max3A_1 = arith.maxsi %sub3A_0, %max3A : i32
    %c0_i32 = arith.constant 0 : i32
    %c0_i32_2 = arith.constant 0 : i32
    return %max3A_1, %c0_i32 : i32, i32
  }
  func.func @transform_2(%arg0: i32) -> (i32, i32) {
    %c0_i32 = arith.constant 0 : i32
    %c0_i32_0 = arith.constant 0 : i32
    return %arg0, %c0_i32 : i32, i32
  }
  func.func @transform_3(%arg0: i32) -> (i32, i32) {
    %c0_i32 = arith.constant 0 : i32
    %c0_i32_0 = arith.constant 0 : i32
    return %arg0, %c0_i32 : i32, i32
  }
  func.func @transform_4(%arg0: i32) -> (i32, i32) {
    %c0_i32 = arith.constant 0 : i32
    %c0_i32_0 = arith.constant 0 : i32
    return %arg0, %c0_i32 : i32, i32
  }
  func.func @transform_5(%arg0: i32) -> (i32, i32) {
    %c0_i32 = arith.constant 0 : i32
    %c0_i32_0 = arith.constant 0 : i32
    return %arg0, %c0_i32 : i32, i32
  }
}

</mosaic_0001>

<sc_bundles>
// kernel: kernel.12.cloned.1.call-start
scs
__scs_entry_jumppad:
0x0: {  	(pc) =	sbr.rel $0x88, $3  }
0x1: {  	(tag) =	ssettag $0x0;
	lr =	simm.s32 $0x1  }
0x2: {  	[smem:$0x3F99] =	sst lr;
	_ =	strace $0xD0000000  }
0x3: {  	_ = 	snop  }
0x4: {  	_ = 	snop  }
0x5: {  	_ = 	snop  }
0x6: {  	_ = 	snop  }
0x7: {  	_ = 	snop  }
__scs_overlays_trampoline_lowered:
0x8: {  	[smem:$0x3FA8] =	sst s0  }
0x9: {  	[smem:$0x3FA9] =	sst s1  }
0xa: {  	[smem:$0x3FAA] =	sst s2  }
0xb: {  	[smem:$0x3FAB] =	sst s3  }
0xc: {  	[smem:$0x3FAC] =	sst s4  }
0xd: {  	[smem:$0x3FAD] =	sst s5  }
0xe: {  	[smem:$0x3FAE] =	sst s6  }
0xf: {  	[smem:$0x3FAF] =	sst s7  }
0x10: {  	[smem:$0x3FB0] =	sst s8  }
0x11: {  	[smem:$0x3FB1] =	sst s9;
	s0 =	simm.s32 @!p0 $0x0  }
0x12: {  	s1 =	sld [smem:$0x3F97];
	s0 =	simm.s32 @p0 $0x1  }
0x13: {  	[smem:$0x3FB2] =	sst s0;
	s0 =	simm.s32 @!p1 $0x0  }
0x14: {  	s2 =	sld [smem:$0x3F96];
	s0 =	simm.s32 @p1 $0x1  }
0x15: {  	[smem:$0x3FB3] =	sst s0;
	s0 =	simm.s32 @!p2 $0x0  }
0x16: {  	s3 =	sld [smem:$0x3FDB];
	s0 =	simm.s32 @p2 $0x1  }
0x17: {  	s4 =	simm.s32 $0x1BF5;
	[smem:$0x3FB5] =	sst s0  }
0x18: {  	s0 =	sld [smem:$0x3F98];
	_ =	swait.ge [sflag:s4], $0x0  }
0x19: {  	s7 =	sld [smem:$0x3F99]  }
0x1a: {  	s8 =	sadd.s32 $0xFFFFE003, lr  }
0x1b: {  	s9 =	sadd.s32 $0xFFFFFEF7, lr;
	s5 =	simm.s32 $0xFFFFFFFF;
	p2 =	slt.u32 s8, $0xFFFFF086  }
0x1c: {  	p1 =	slt.u32 s9, $0xF7A;
	s5 =	simm.s32 @!p2 $0x0  }
0x1d: {  	s5 =	simm.s32 @p1 $0x1;
	p0 =	seq.s32 s7, s2  }
0x1e: {  	s7 =	smul.u32 @!p0 $0xF7A, s2;
	p2 =	seq.s32 @!p0 s5, $0x0  }
0x1f: {  	s9 =	smul.u32 $0xF7A, s1;
	s8 =	simm.s32 @!p0 $0x1BF5;
	p2 =	por !p2, p0  }
0x20: {  	[sflag:s8] =	ssyncset.s32 @!p0 $0xFFFFF086;
	s6 =	sadd.s32 @!p0 s3, s7;
	s7 =	simm.s32 @!p0 $0x108  }
0x21: {  	s3 =	sadd.s32 s3, s9;
	s6 =	sadd.s32 @!p0 $0x88, s6;
	s7 =	simm.s32 @p2 $0x1082  }
0x22: {  	[simem:s7], [sflag:s8] =	dma.local @!p0 [hbm:s6], $0xF7A  }
0x23: {  	s9 =	sor.u32 $0xD0000000, s2;
	s6 =	simm.s32 $0x108;
	_ =	swait.ge @!p0 [sflag:s8], $0x0  }
0x24: {  	s3 =	sadd.s32 $0x88, s3;
	s6 =	simm.s32 @!p1 $0x1082;
	[sflag:s4] =	ssyncset.s32 $0xFFFFF086  }
0x25: {  	[simem:s6], [sflag:s4] =	dma.local [hbm:s3], $0xF7A  }
0x26: {  	[smem:$0x3F99] =	sst s1;
	(tag) =	ssettag s2;
	_ =	strace s9  }
0x27: {  	s1 =	sld [smem:$0x3FA9]  }
0x28: {  	s2 =	sld [smem:$0x3FAA]  }
0x29: {  	s4 =	sld [smem:$0x3FAC]  }
0x2a: {  	p0 =	seq.s32 s5, $0x0;
	s5 =	sld [smem:$0x3FAD]  }
0x2b: {  	s6 =	sld [smem:$0x3FAE]  }
0x2c: {  	s7 =	sld [smem:$0x3FAF]  }
0x2d: {  	s3 =	simm.s32 $0x108;
	s8 =	sld [smem:$0x3FB0]  }
0x2e: {  	s3 =	simm.s32 @!p0 $0x1082;
	s9 =	sld [smem:$0x3FB1]  }
0x2f: {  	lr =	sadd.s32 s0, s3;
	s0 =	sld [smem:$0x3FA8]  }
0x30: {  	s3 =	sld [smem:$0x3FAB]  }
0x31: {  	[smem:$0x3FB4] =	sst s10  }
0x32: {  	s10 =	sld [smem:$0x3FB2];
	_ =	sdelay $0x3  }
0x33: {  	p0 =	seq.s32 s10, $0x1;
	s10 =	sld [smem:$0x3FB4];
	_ =	sdelay $0x3  }
0x34: {  	[smem:$0x3FB4] =	sst s10  }
0x35: {  	s10 =	sld [smem:$0x3FB3];
	_ =	sdelay $0x3  }
0x36: {  	p1 =	seq.s32 s10, $0x1;
	s10 =	sld [smem:$0x3FB4];
	_ =	sdelay $0x3  }
0x37: {  	[smem:$0x3FB4] =	sst s10  }
0x38: {  	s10 =	sld [smem:$0x3FB5]  }
0x39: {  	_ = 	snop;
	(pc) =	sbr.ind lr, $3  }
0x3a: {  	_ = 	snop  }
0x3b: {  	_ = 	snop  }
0x3c: {  	p2 =	seq.s32 s10, $0x1;
	s10 =	sld [smem:$0x3FB4]  }
0x3d: {  	_ =	shalt  }
0x3e: {  	_ =	shalt  }
0x3f: {  	_ =	shalt  }
0x40: {  	_ =	shalt  }
0x41: {  	_ =	shalt  }
0x42: {  	_ =	shalt  }
0x43: {  	_ =	shalt  }
0x44: {  	_ =	shalt  }
0x45: {  	_ =	shalt  }
0x46: {  	_ =	shalt  }
0x47: {  	_ =	shalt  }
0x48: {  	_ =	shalt  }
0x49: {  	_ =	shalt  }
0x4a: {  	_ =	shalt  }
0x4b: {  	_ =	shalt  }
0x4c: {  	_ =	shalt  }
0x4d: {  	_ =	shalt  }
0x4e: {  	_ =	shalt  }
0x4f: {  	_ =	shalt  }
0x50: {  	_ =	shalt  }
0x51: {  	_ =	shalt  }
0x52: {  	_ =	shalt  }
0x53: {  	_ =	shalt  }
0x54: {  	_ =	shalt  }
0x55: {  	_ =	shalt  }
0x56: {  	_ =	shalt  }
0x57: {  	_ =	shalt  }
0x58: {  	_ =	shalt  }
0x59: {  	_ =	shalt  }
0x5a: {  	_ =	shalt  }
0x5b: {  	_ =	shalt  }
0x5c: {  	_ =	shalt  }
0x5d: {  	_ =	shalt  }
0x5e: {  	_ =	shalt  }
0x5f: {  	_ =	shalt  }
0x60: {  	_ =	shalt  }
0x61: {  	_ =	shalt  }
0x62: {  	_ =	shalt  }
0x63: {  	_ =	shalt  }
0x64: {  	_ =	shalt  }
0x65: {  	_ =	shalt  }
0x66: {  	_ =	shalt  }
0x67: {  	_ =	shalt  }
0x68: {  	_ =	shalt  }
0x69: {  	_ =	shalt  }
0x6a: {  	_ =	shalt  }
0x6b: {  	_ =	shalt  }
0x6c: {  	_ =	shalt  }
0x6d: {  	_ =	shalt  }
0x6e: {  	_ =	shalt  }
0x6f: {  	_ =	shalt  }
0x70: {  	_ =	shalt  }
0x71: {  	_ =	shalt  }
0x72: {  	_ =	shalt  }
0x73: {  	_ =	shalt  }
0x74: {  	_ =	shalt  }
0x75: {  	_ =	shalt  }
0x76: {  	_ =	shalt  }
0x77: {  	_ =	shalt  }
0x78: {  	_ =	shalt  }
0x79: {  	_ =	shalt  }
0x7a: {  	_ =	shalt  }
0x7b: {  	_ =	shalt  }
0x7c: {  	_ =	shalt  }
0x7d: {  	_ =	shalt  }
0x7e: {  	_ =	shalt  }
0x7f: {  	_ =	shalt  }
0x80: {  	_ =	shalt  }
0x81: {  	_ =	shalt  }
0x82: {  	_ =	shalt  }
0x83: {  	_ =	shalt  }
0x84: {  	_ =	shalt  }
0x85: {  	_ =	shalt  }
0x86: {  	_ =	shalt  }
0x87: {  	_ =	shalt  }
.Lfunc_end0:
.L_simem_size_0:
called_computation.1_lowered:
.L_overlay_start_0:
0x88: {  	s2 =	sld [smem:$0x3FD9]  }
0x89: {  	s3 =	sld [smem:$0x3FFE];
	_ =	sdelay $0x1  }
0x8a: {  	s1 =	srdreg.scid  }
0x8b: {  	s0 =	sand.u32 $0x1, s1  }
0x8c: {  	s16 =	sshll.u32 s0, $0xA;
	s2 =	sadd.s32 s3, s2  }
0x8d: {  	s2 =	sadd.s32 s2, s16  }
0x8e: {  	[smem:$0x3FC0] =	sst s2  }
0x8f: {  	_ = 	snop  }
0x90: {  	(tm) =	ssettm $0x1  }
0x91: {  	s17 =	sld [smem:$0x3FFB];
	_ =	sdelay $0x3  }
0x92: {  	_ =	strace s17  }
0x93: {  	s2 =	sld [smem:$0x3FFC];
	_ =	sdelay $0x3  }
0x94: {  	_ =	strace s2  }
0x95: {  	s2 =	sld [smem:$0x3FFD];
	_ =	sdelay $0x3  }
0x96: {  	_ =	strace s2  }
0x97: {  	_ =	strace $0x8FFFFFFF  }
0x98: {  	s18 =	sld [smem:$0x3FDB];
	_ =	sdelay $0x1  }
0x99: {  	s19 =	simm.s32 $_scs_section_size  }
0x9a: {  	s4 =	simm.s32 $_size__tile_overlayer_lowered;
	s5 =	simm.s32 $_tile_overlayer_lowered  }
0x9b: {  	s22 =	simm.s32 $0x1BFF;
	s21 =	sshll.u32 s5, $0x1;
	s2 =	sadd.s32 s19, s18  }
0x9c: {  	s6 =	simm.s32 $0x0;
	s20 =	sshll.u32 s4, $0x1;
	s4 =	sadd.s32 s21, s2  }
0x9d: {  	[timem:s6], [sflag:s22] =	dma.local [hbm:s4], s20  }
0x9e: {  	_ =	swait.ge [sflag:s22], s20  }
0x9f: {  	s3 =	ssub.s32 $0x0, s20;
	[sflag:s22] =	ssyncset.done $0x0  }
0xa0: {  	[sflag:s22] =	ssyncadd.s32 s3;
	_ =	sdelay $0x1  }
0xa1: {  	s23 =	simm.s32 $0x1B8B  }
0xa2: {  	_ =	swait.ge [sflag:s23], $0x1  }
0xa3: {  	[sflag:s23] =	ssyncset.done $0x0  }
0xa4: {  	s25 =	simm.s32 $0x1B8E;
	s24 =	sld [smem:$0x3FFE];
	[sflag:s23] =	ssyncadd.s32 $0xFFFFFFFF  }
0xa5: {  	s26 =	simm.s32 $execute0_lowered;
	[smem:$0x3FD2] =	sst s25  }
0xa6: {  	s4 =	sshll.u32 s26, $0x1;
	_ =	strace $0x80000049;
	[dreg:$0x1] =	wrdreg $0xFFFFFFFF  }
0xa7: {  	s28 =	simm.s32 $_size_execute0_lowered;
	s2 =	sadd.s32 s2, s4;
	[dreg:$0x0] =	wrdreg $0x0  }
0xa8: {  	s4 =	sshll.u32 s28, $0x1;
	[dreg:$0x2] =	wrdreg s2  }
0xa9: {  	[dreg:$0x3] =	wrdreg s4  }
0xaa: {  	[dreg:$0x4] =	wrdreg $0xC0  }
0xab: {  	_ =	task [dreg:s6], $0x5FFFF  }
0xac: {  	[dreg:$0x1] =	wrdreg $0xFFFFFFFF  }
0xad: {  	[dreg:$0x0] =	wrdreg $0x60  }
0xae: {  	[dreg:$0x2] =	wrdreg s24  }
0xaf: {  	[dreg:$0x3] =	wrdreg $0x9  }
0xb0: {  	_ =	task.clear_ibuf [dreg:s6], $0x4FFFF;
	_ =	strace $0x90000049  }
0xb1: {  	s29 =	simm.s32 $0x9;
	_ =	strace $0x8000004B  }
0xb2: {  	_ =	swait.ge [sflag:s29], $0x1  }
0xb3: {  	[sflag:s29] =	ssyncadd.s32 $0xFFFFFFFF  }
0xb4: {  	_ =	strace $0x9000004B  }
0xb5: {  	_ =	sfence  }
0xb6: {  	s30 =	sld [smem:$0x0];
	_ =	sdelay $0x2  }
0xb7: {  	s31 =	sshll.u32 s1, $0xD;
	s1 =	sshrl.u32 s1, $0x2  }
0xb8: {  	s3 =	sand.u32 $0x4000, s31;
	s1 =	sadd.s32 s1, s30  }
0xb9: {  	s0 =	sor.u32 s3, s0;
	s1 =	sshll.u32 s1, $0x11  }
0xba: {  	s0 =	sor.u32 s1, s0  }
0xbb: {  	s0 =	sadd.s32 $0x8F2B, s0  }
0xbc: {  	[sflag:s0] =	ssyncadd.remote.s32 $0x1  }
0xbd: {  	_ =	sfence.sel $0xFFFF  }
0xbe: {  	[dreg:$0x0] =	wrdreg $0xFFFFFFFF;
	(pc) =	sbr.abs _section_cstart, $3  }
0xbf: {  	[dreg:$0x1] =	wrdreg $0xFFFFFFFF  }
0xc0: {  	_ =	task.clear_ibuf [dreg:s6], $0x2FFFF;
	_ =	strace $0x9FFFFFFF  }
0xc1: {  	(tm) =	ssettm $0x7FFFFFFF  }
tec
execute0_lowered:
.L_overlay_start_1:
0x0: {  	(tag) =	ssettag $0x1  }
0x1: {  	s0 =	srdreg.scid  }
0x2: {  	s9 =	stileid.u32;
	s1 =	rddreg [dreg:$0x0];
	s2 =	simm.s32 $0x0  }
0x3: {  	s10 =	simm.s32 $0x6000;
	s11 =	simm.s32 $0x2;
	s12 =	simm.s32 $0x800  }
0x4: {  	s13 =	simm.s32 $0xC00;
	s14 =	simm.s32 $0x1400;
	s15 =	simm.s32 $0x1800  }
0x5: {  	s16 =	simm.s32 $0x2000;
	s17 =	simm.s32 $0x2400;
	s18 =	simm.s32 $0x2C00  }
0x6: {  	s19 =	simm.s32 $0x3000;
	s20 =	simm.s32 $0x3800;
	s21 =	simm.s32 $0x3C00  }
0x7: {  	s22 =	simm.s32 $0x4400;
	s23 =	simm.s32 $0x4800;
	s24 =	simm.s32 $0x5000  }
0x8: {  	s25 =	simm.s32 $0x5400;
	s28 =	simm.s32 $0x1;
	s0 =	sand.u32 $0x1, s0  }
0x9: {  	s29 =	simm.s32 $0x0;
	s3 =	sshll.u32 s9, $0x9;
	s4 =	sshll.u32 s0, $0x8  }
0xa: {  	[smem:$0x7FF] =	sst s2;
	s31 =	sshll.u32 s9, $0xA;
	s3 =	sor.u32 s4, s3  }
0xb: {  	s5 =	ssub.s32 $0x2, s0;
	_ =	strace $0x8000004A;
	s3 =	sshrl.u32 s3, $0x3  }
0xc: {  	s0 =	sshll.u32 s0, $0x9;
	s7 =	sshrl.u32 s5, $0x1;
	s6 =	smul.u32 $0x180, s3  }
0xd: {  	s4 =	sadd.s32 $0x1A00, s1;
	s9 =	sor.u32 s0, s31;
	s7 =	ssub.s32 s5, s7  }
0xe: {  	v2 =	vlaneseq.u32;
	s5 =	sadd.s32 $0xF5F00, s1;
	s26 =	smax.u32 s7, $0x1;
	s8 =	sadd.s32 s6, s1  }
0xf: {  	vm0 =	vmmov $0xffff;
	vm1 =	vmmov $0xff;
	v1 =	vshrl.u32 v2, $0x3;
	s3 =	sadd.s32 $0xF5E00, s1;
	[dreg:$0x2] =	wrdreg s26;
	s30 =	sadd.s32 $0x2200, s8  }
0x10: {  	v0 =	vand.u32 $0x7, v2;
	v2 =	vor.u32 $0x8, v2;
	v1 =	vmul.u32 $0x8, v1;
	s26 =	simm.s32 $0x5C00;
	s8 =	sadd.s32 $0x62200, s8;
	[dreg:$0x3] =	wrdreg s30  }
.LBB2_1:
0x11: {  	s30 =	smov.u32 s9  }
0x12: {  	s31 =	smov.u32 s8;
	s7 =	rddreg [dreg:$0x3];
	s0 =	simm.s32 $0x0  }
.LBB2_2:
0x13: {  	s6 =	sand.u32 $0x40, s0;
	s1 =	sand.u32 $0x3F00, s30  }
0x14: {  	s1 =	sor.u32 s6, s1  }
0x15: {  	s1 =	sshrl.u32 s1, $0x3  }
0x16: {  	s1 =	sadd.s32 s4, s1  }
0x17: {  	[tilespmem:s10], [sflag:$0x2] =	stream.linear.gather [hbm4b:s1+s2], $0x40, $0x38;
	[tilespmem:$0x6080] =	vst v63  }
0x18: {  	_ =	swait.ge [sflag:s11], $0x40  }
0x19: {  	[sflag:s11] =	ssyncset.done $0x0  }
0x1a: {  	[sflag:s11] =	ssyncadd.s32 $0xFFFFFFC0  }
0x1b: {  	v3 =	vld [tilespmem:$0x6000];
	_ =	sdelay $0x4  }
0x1c: {  	v4 =	vshrl.u32 v3, $0x3  }
0x1d: {  	v4 =	vmul.u32 $0x18, v4  }
0x1e: {  	v3 =	vand.u32 $0x7, v3  }
0x1f: {  	v3 =	vor.u32 v3, v4  }
0x20: {  	v4 =	vperm.xlane v3, v0;
	_ =	sdelay $0x1  }
0x21: {  	v4 =	vadd.s32 v1, v4;
	_ =	sdelay $0x1  }
0x22: {  	v3 =	vperm.xlane v3, v2;
	_ =	sdelay $0x1  }
0x23: {  	v3 =	vadd.s32 v1, v3  }
0x24: {  	[tilespmem:s2], [sflag:$0x1] =	stream.indirect_vreg.gather [hbm4b:s3+s2], $0x80, v4, vm0, $0xb8;
	[tilespmem:$0x6080] =	vst v63  }
0x25: {  	_ = 	snop  }
0x26: {  	[tilespmem:s12], [sflag:$0x1] =	stream.indirect_vreg.gather [hbm4b:s5+s2], $0x80, v4, vm1, $0xb8;
	[tilespmem:$0x6080] =	vst v63  }
0x27: {  	_ = 	snop  }
0x28: {  	[tilespmem:s13], [sflag:$0x1] =	stream.indirect_vreg.gather [hbm4b:s3+s2], $0x80, v3, vm0, $0xb8;
	[tilespmem:$0x6080] =	vst v63  }
0x29: {  	_ = 	snop  }
0x2a: {  	[tilespmem:s14], [sflag:$0x1] =	stream.indirect_vreg.gather [hbm4b:s5+s2], $0x80, v3, vm1, $0xb8;
	[tilespmem:$0x6080] =	vst v63  }
0x2b: {  	v3 =	vld [tilespmem:$0x6010];
	_ =	sdelay $0x4  }
0x2c: {  	v57 =	vshrl.u32 v3, $0x3  }
0x2d: {  	v4 =	vmul.u32 $0x18, v57  }
0x2e: {  	v3 =	vand.u32 $0x7, v3  }
0x2f: {  	v3 =	vor.u32 v3, v4  }
0x30: {  	v4 =	vperm.xlane v3, v0;
	_ =	sdelay $0x1  }
0x31: {  	v4 =	vadd.s32 v1, v4;
	_ =	sdelay $0x1  }
0x32: {  	v3 =	vperm.xlane v3, v2;
	_ =	sdelay $0x1  }
0x33: {  	v3 =	vadd.s32 v1, v3  }
0x34: {  	[tilespmem:s15], [sflag:$0x1] =	stream.indirect_vreg.gather [hbm4b:s3+s2], $0x80, v4, vm0, $0xb8;
	[tilespmem:$0x6080] =	vst v63  }
0x35: {  	_ = 	snop  }
0x36: {  	[tilespmem:s16], [sflag:$0x1] =	stream.indirect_vreg.gather [hbm4b:s5+s2], $0x80, v4, vm1, $0xb8;
	[tilespmem:$0x6080] =	vst v63  }
0x37: {  	_ = 	snop  }
0x38: {  	[tilespmem:s17], [sflag:$0x1] =	stream.indirect_vreg.gather [hbm4b:s3+s2], $0x80, v3, vm0, $0xb8;
	[tilespmem:$0x6080] =	vst v63  }
0x39: {  	_ = 	snop  }
0x3a: {  	[tilespmem:s18], [sflag:$0x1] =	stream.indirect_vreg.gather [hbm4b:s5+s2], $0x80, v3, vm1, $0xb8;
	[tilespmem:$0x6080] =	vst v63  }
0x3b: {  	v3 =	vld [tilespmem:$0x6020];
	_ =	sdelay $0x4  }
0x3c: {  	v58 =	vshrl.u32 v3, $0x3  }
0x3d: {  	v4 =	vmul.u32 $0x18, v58  }
0x3e: {  	v3 =	vand.u32 $0x7, v3  }
0x3f: {  	v3 =	vor.u32 v3, v4  }
0x40: {  	v4 =	vperm.xlane v3, v0;
	_ =	sdelay $0x1  }
0x41: {  	v4 =	vadd.s32 v1, v4;
	_ =	sdelay $0x1  }
0x42: {  	v3 =	vperm.xlane v3, v2;
	_ =	sdelay $0x1  }
0x43: {  	v3 =	vadd.s32 v1, v3  }
0x44: {  	[tilespmem:s19], [sflag:$0x1] =	stream.indirect_vreg.gather [hbm4b:s3+s2], $0x80, v4, vm0, $0xb8;
	[tilespmem:$0x6080] =	vst v63  }
0x45: {  	_ = 	snop  }
0x46: {  	[tilespmem:s20], [sflag:$0x1] =	stream.indirect_vreg.gather [hbm4b:s5+s2], $0x80, v4, vm1, $0xb8;
	[tilespmem:$0x6080] =	vst v63  }
0x47: {  	_ = 	snop  }
0x48: {  	[tilespmem:s21], [sflag:$0x1] =	stream.indirect_vreg.gather [hbm4b:s3+s2], $0x80, v3, vm0, $0xb8;
	[tilespmem:$0x6080] =	vst v63  }
0x49: {  	_ = 	snop  }
0x4a: {  	[tilespmem:s22], [sflag:$0x1] =	stream.indirect_vreg.gather [hbm4b:s5+s2], $0x80, v3, vm1, $0xb8;
	[tilespmem:$0x6080] =	vst v63  }
0x4b: {  	v3 =	vld [tilespmem:$0x6030];
	_ =	sdelay $0x4  }
0x4c: {  	v59 =	vshrl.u32 v3, $0x3  }
0x4d: {  	v4 =	vmul.u32 $0x18, v59  }
0x4e: {  	v3 =	vand.u32 $0x7, v3  }
0x4f: {  	v3 =	vor.u32 v3, v4  }
0x50: {  	v4 =	vperm.xlane v3, v0;
	_ =	sdelay $0x1  }
0x51: {  	v4 =	vadd.s32 v1, v4;
	_ =	sdelay $0x1  }
0x52: {  	v3 =	vperm.xlane v3, v2;
	_ =	sdelay $0x1  }
0x53: {  	v3 =	vadd.s32 v1, v3  }
0x54: {  	[tilespmem:s23], [sflag:$0x1] =	stream.indirect_vreg.gather [hbm4b:s3+s2], $0x80, v4, vm0, $0xb8;
	[tilespmem:$0x6080] =	vst v63  }
0x55: {  	_ = 	snop  }
0x56: {  	[tilespmem:s24], [sflag:$0x1] =	stream.indirect_vreg.gather [hbm4b:s5+s2], $0x80, v4, vm1, $0xb8;
	[tilespmem:$0x6080] =	vst v63  }
0x57: {  	_ = 	snop  }
0x58: {  	[tilespmem:s25], [sflag:$0x1] =	stream.indirect_vreg.gather [hbm4b:s3+s2], $0x80, v3, vm0, $0xb8;
	[tilespmem:$0x6080] =	vst v63  }
0x59: {  	_ = 	snop  }
0x5a: {  	[tilespmem:s26], [sflag:$0x1] =	stream.indirect_vreg.gather [hbm4b:s5+s2], $0x80, v3, vm1, $0xb8;
	[tilespmem:$0x6080] =	vst v63  }
0x5b: {  	_ =	swait.ge [sflag:s28], $0x6000  }
0x5c: {  	[sflag:s28] =	ssyncset.done $0x0  }
0x5d: {  	s6 =	sor.u32 s0, s30;
	[sflag:s28] =	ssyncadd.s32 $0xFFFFA000  }
0x5e: {  	[hbm4b:s7+s2] =	stream.linear.scatter [tilespmem:s2], [sflag:$0x2], $0x6000, $0x38;
	[tilespmem:$0x6080] =	vst v63  }
0x5f: {  	s1 =	sshrl.u32 s6, $0x3;
	_ =	swait.ge [sflag:s11], $0x6000  }
0x60: {  	s1 =	sor.u32 $0x10, s1;
	[sflag:s11] =	ssyncset.done $0x0  }
0x61: {  	s1 =	sadd.s32 s4, s1;
	[sflag:s11] =	ssyncadd.s32 $0xFFFFA000  }
0x62: {  	[tilespmem:s10], [sflag:$0x2] =	stream.linear.gather [hbm4b:s1+s2], $0x40, $0x38;
	[tilespmem:$0x6080] =	vst v63  }
0x63: {  	_ =	swait.ge [sflag:s11], $0x40  }
0x64: {  	[sflag:s11] =	ssyncset.done $0x0  }
0x65: {  	[sflag:s11] =	ssyncadd.s32 $0xFFFFFFC0  }
0x66: {  	v3 =	vld [tilespmem:$0x6000];
	_ =	sdelay $0x4  }
0x67: {  	v60 =	vshrl.u32 v3, $0x3  }
0x68: {  	v4 =	vmul.u32 $0x18, v60  }
0x69: {  	v3 =	vand.u32 $0x7, v3  }
0x6a: {  	v3 =	vor.u32 v3, v4  }
0x6b: {  	v4 =	vperm.xlane v3, v0;
	_ =	sdelay $0x1  }
0x6c: {  	v4 =	vadd.s32 v1, v4;
	_ =	sdelay $0x1  }
0x6d: {  	v3 =	vperm.xlane v3, v2;
	_ =	sdelay $0x1  }
0x6e: {  	v3 =	vadd.s32 v1, v3  }
0x6f: {  	[tilespmem:s2], [sflag:$0x1] =	stream.indirect_vreg.gather [hbm4b:s3+s2], $0x80, v4, vm0, $0xb8;
	[tilespmem:$0x6080] =	vst v63  }
0x70: {  	_ = 	snop  }
0x71: {  	[tilespmem:s12], [sflag:$0x1] =	stream.indirect_vreg.gather [hbm4b:s5+s2], $0x80, v4, vm1, $0xb8;
	[tilespmem:$0x6080] =	vst v63  }
0x72: {  	_ = 	snop  }
0x73: {  	[tilespmem:s13], [sflag:$0x1] =	stream.indirect_vreg.gather [hbm4b:s3+s2], $0x80, v3, vm0, $0xb8;
	[tilespmem:$0x6080] =	vst v63  }
0x74: {  	_ = 	snop  }
0x75: {  	[tilespmem:s14], [sflag:$0x1] =	stream.indirect_vreg.gather [hbm4b:s5+s2], $0x80, v3, vm1, $0xb8;
	[tilespmem:$0x6080] =	vst v63  }
0x76: {  	v3 =	vld [tilespmem:$0x6010];
	_ =	sdelay $0x4  }
0x77: {  	v61 =	vshrl.u32 v3, $0x3  }
0x78: {  	v4 =	vmul.u32 $0x18, v61  }
0x79: {  	v3 =	vand.u32 $0x7, v3  }
0x7a: {  	v3 =	vor.u32 v3, v4  }
0x7b: {  	v4 =	vperm.xlane v3, v0;
	_ =	sdelay $0x1  }
0x7c: {  	v4 =	vadd.s32 v1, v4;
	_ =	sdelay $0x1  }
0x7d: {  	v3 =	vperm.xlane v3, v2;
	_ =	sdelay $0x1  }
0x7e: {  	v3 =	vadd.s32 v1, v3  }
0x7f: {  	[tilespmem:s15], [sflag:$0x1] =	stream.indirect_vreg.gather [hbm4b:s3+s2], $0x80, v4, vm0, $0xb8;
	[tilespmem:$0x6080] =	vst v63  }
0x80: {  	_ = 	snop  }
0x81: {  	[tilespmem:s16], [sflag:$0x1] =	stream.indirect_vreg.gather [hbm4b:s5+s2], $0x80, v4, vm1, $0xb8;
	[tilespmem:$0x6080] =	vst v63  }
0x82: {  	_ = 	snop  }
0x83: {  	[tilespmem:s17], [sflag:$0x1] =	stream.indirect_vreg.gather [hbm4b:s3+s2], $0x80, v3, vm0, $0xb8;
	[tilespmem:$0x6080] =	vst v63  }
0x84: {  	_ = 	snop  }
0x85: {  	[tilespmem:s18], [sflag:$0x1] =	stream.indirect_vreg.gather [hbm4b:s5+s2], $0x80, v3, vm1, $0xb8;
	[tilespmem:$0x6080] =	vst v63  }
0x86: {  	v3 =	vld [tilespmem:$0x6020];
	_ =	sdelay $0x4  }
0x87: {  	v62 =	vshrl.u32 v3, $0x3  }
0x88: {  	v4 =	vmul.u32 $0x18, v62  }
0x89: {  	v3 =	vand.u32 $0x7, v3  }
0x8a: {  	v3 =	vor.u32 v3, v4  }
0x8b: {  	v4 =	vperm.xlane v3, v0;
	_ =	sdelay $0x1  }
0x8c: {  	v4 =	vadd.s32 v1, v4;
	_ =	sdelay $0x1  }
0x8d: {  	v3 =	vperm.xlane v3, v2;
	_ =	sdelay $0x1  }
0x8e: {  	v3 =	vadd.s32 v1, v3  }
0x8f: {  	[tilespmem:s19], [sflag:$0x1] =	stream.indirect_vreg.gather [hbm4b:s3+s2], $0x80, v4, vm0, $0xb8;
	[tilespmem:$0x6080] =	vst v63  }
0x90: {  	_ = 	snop  }
0x91: {  	[tilespmem:s20], [sflag:$0x1] =	stream.indirect_vreg.gather [hbm4b:s5+s2], $0x80, v4, vm1, $0xb8;
	[tilespmem:$0x6080] =	vst v63  }
0x92: {  	_ = 	snop  }
0x93: {  	[tilespmem:s21], [sflag:$0x1] =	stream.indirect_vreg.gather [hbm4b:s3+s2], $0x80, v3, vm0, $0xb8;
	[tilespmem:$0x6080] =	vst v63  }
0x94: {  	_ = 	snop  }
0x95: {  	[tilespmem:s22], [sflag:$0x1] =	stream.indirect_vreg.gather [hbm4b:s5+s2], $0x80, v3, vm1, $0xb8;
	[tilespmem:$0x6080] =	vst v63  }
0x96: {  	v3 =	vld [tilespmem:$0x6030];
	_ =	sdelay $0x4  }
0x97: {  	v63 =	vshrl.u32 v3, $0x3  }
0x98: {  	v4 =	vmul.u32 $0x18, v63  }
0x99: {  	v3 =	vand.u32 $0x7, v3  }
0x9a: {  	v3 =	vor.u32 v3, v4  }
0x9b: {  	v4 =	vperm.xlane v3, v0;
	_ =	sdelay $0x1  }
0x9c: {  	v4 =	vadd.s32 v1, v4;
	_ =	sdelay $0x1  }
0x9d: {  	v3 =	vperm.xlane v3, v2;
	_ =	sdelay $0x1  }
0x9e: {  	v3 =	vadd.s32 v1, v3  }
0x9f: {  	[tilespmem:s23], [sflag:$0x1] =	stream.indirect_vreg.gather [hbm4b:s3+s2], $0x80, v4, vm0, $0xb8;
	[tilespmem:$0x6080] =	vst v63  }
0xa0: {  	_ = 	snop  }
0xa1: {  	[tilespmem:s24], [sflag:$0x1] =	stream.indirect_vreg.gather [hbm4b:s5+s2], $0x80, v4, vm1, $0xb8;
	[tilespmem:$0x6080] =	vst v63  }
0xa2: {  	_ = 	snop  }
0xa3: {  	[tilespmem:s25], [sflag:$0x1] =	stream.indirect_vreg.gather [hbm4b:s3+s2], $0x80, v3, vm0, $0xb8;
	[tilespmem:$0x6080] =	vst v63  }
0xa4: {  	_ = 	snop  }
0xa5: {  	[tilespmem:s26], [sflag:$0x1] =	stream.indirect_vreg.gather [hbm4b:s5+s2], $0x80, v3, vm1, $0xb8;
	[tilespmem:$0x6080] =	vst v63  }
0xa6: {  	_ =	swait.ge [sflag:s28], $0x6000  }
0xa7: {  	p0 =	sne.s32 s0, $0xC0;
	[sflag:s28] =	ssyncset.done $0x0  }
.Ltmp0:
0xa8: {  	[sflag:s28] =	ssyncadd.s32 $0xFFFFA000;
	(pc) =	sbr.rel @p0 .LBB2_2-.Ltmp0, $4  }
0xa9: {  	[hbm4b:s31+s2] =	stream.linear.scatter [tilespmem:s2], [sflag:$0x2], $0x6000, $0x38;
	[tilespmem:$0x6080] =	vst v63  }
0xaa: {  	_ =	swait.ge [sflag:s11], $0x6000  }
0xab: {  	s30 =	sadd.s32 $0x80, s30;
	s0 =	sadd.s32 $0x40, s0;
	[sflag:s11] =	ssyncset.done $0x0  }
0xac: {  	s7 =	sadd.s32 $0xC00, s7;
	s31 =	sadd.s32 $0xC00, s31;
	[sflag:s11] =	ssyncadd.s32 $0xFFFFA000  }
0xad: {  	s29 =	sadd.s32 $0x1, s29;
	s0 =	rddreg [dreg:$0x2]  }
0xae: {  	p0 =	sne.s32 s29, s0  }
.Ltmp1:
0xaf: {  	_ = 	snop;
	(pc) =	sbr.rel @p0 .LBB2_1-.Ltmp1, $1  }
0xb0: {  	_ =	sdelay $0x3  }
0xb1: {  	_ =	sfence.sel $0x180000  }
0xb2: {  	[bflag:$0x0] =	sbarrier.arrive $0xFFFF  }
0xb3: {  	_ =	strace $0x9000004A  }
0xb4: {  	s0 =	stileid.u32;
	[bflag:$0x2] =	sbarrier.arrive $0xFFFF  }
0xb5: {  	p0 =	sne.s32 s0, $0x0;
	s0 =	rddreg [dreg:$0x1]  }
0xb6: {  	s0 =	sadd.s32 @!p0 $0x100000, s0  }
0xb7: {  	[sflag:s0] =	ssyncadd.tile.s32 @!p0 $0x1;
	_ =	shalt  }
.Lfunc_end2:
_tile_overlayer_lowered:
.L_overlay_start_2:
0xb8: {  	(tag) =	ssettag $0x2  }
0xb9: {  	s0 =	rddreg [dreg:$0x0];
	s2 =	stileid.u32  }
0xba: {  	s1 =	rddreg [dreg:$0x1];
	p0 =	sne.s32 s2, $0x0  }
0xbb: {  	s3 =	rddreg [dreg:$0x2];
	[bflag:$0x3] =	sbarrier.arrive $0xFFFF;
	s2 =	simm.s32 @!p0 $0x1C02  }
0xbc: {  	[timem:s3], [sflag:s2] =	dma.local @!p0 [hbm:s0], s1  }
0xbd: {  	s0 =	simm.s32 @!p0 $0x2  }
0xbe: {  	_ =	swait.ge @!p0 [sflag:s0], s1  }
0xbf: {  	s1 =	ssub.s32 @!p0 $0x0, s1;
	[sflag:s0] =	ssyncset.done @!p0 $0x0  }
0xc0: {  	[sflag:s0] =	ssyncadd.s32 @!p0 s1  }
0xc1: {  	[bflag:$0x3] =	sbarrier.arrive $0xFFFF  }
0xc2: {  	_ =	shalt  }

// kernel: kernel.9.cloned.1.call-start
scs
__scs_entry_jumppad:
0x0: {  	(pc) =	sbr.rel $0x88, $3  }
0x1: {  	(tag) =	ssettag $0x0;
	lr =	simm.s32 $0x1  }
0x2: {  	[smem:$0x3F99] =	sst lr;
	_ =	strace $0xD0000000  }
0x3: {  	_ = 	snop  }
0x4: {  	_ = 	snop  }
0x5: {  	_ = 	snop  }
0x6: {  	_ = 	snop  }
0x7: {  	_ = 	snop  }
__scs_overlays_trampoline_lowered:
0x8: {  	[smem:$0x3FA8] =	sst s0  }
0x9: {  	[smem:$0x3FA9] =	sst s1  }
0xa: {  	[smem:$0x3FAA] =	sst s2  }
0xb: {  	[smem:$0x3FAB] =	sst s3  }
0xc: {  	[smem:$0x3FAC] =	sst s4  }
0xd: {  	[smem:$0x3FAD] =	sst s5  }
0xe: {  	[smem:$0x3FAE] =	sst s6  }
0xf: {  	[smem:$0x3FAF] =	sst s7  }
0x10: {  	[smem:$0x3FB0] =	sst s8  }
0x11: {  	[smem:$0x3FB1] =	sst s9;
	s0 =	simm.s32 @!p0 $0x0  }
0x12: {  	s1 =	sld [smem:$0x3F97];
	s0 =	simm.s32 @p0 $0x1  }
0x13: {  	[smem:$0x3FB2] =	sst s0;
	s0 =	simm.s32 @!p1 $0x0  }
0x14: {  	s2 =	sld [smem:$0x3F96];
	s0 =	simm.s32 @p1 $0x1  }
0x15: {  	[smem:$0x3FB3] =	sst s0;
	s0 =	simm.s32 @!p2 $0x0  }
0x16: {  	s3 =	sld [smem:$0x3FDB];
	s0 =	simm.s32 @p2 $0x1  }
0x17: {  	s4 =	simm.s32 $0x1BF5;
	[smem:$0x3FB5] =	sst s0  }
0x18: {  	s0 =	sld [smem:$0x3F98];
	_ =	swait.ge [sflag:s4], $0x0  }
0x19: {  	s7 =	sld [smem:$0x3F99]  }
0x1a: {  	s8 =	sadd.s32 $0xFFFFE003, lr  }
0x1b: {  	s9 =	sadd.s32 $0xFFFFFEF7, lr;
	s5 =	simm.s32 $0xFFFFFFFF;
	p2 =	slt.u32 s8, $0xFFFFF086  }
0x1c: {  	p1 =	slt.u32 s9, $0xF7A;
	s5 =	simm.s32 @!p2 $0x0  }
0x1d: {  	s5 =	simm.s32 @p1 $0x1;
	p0 =	seq.s32 s7, s2  }
0x1e: {  	s7 =	smul.u32 @!p0 $0xF7A, s2;
	p2 =	seq.s32 @!p0 s5, $0x0  }
0x1f: {  	s9 =	smul.u32 $0xF7A, s1;
	s8 =	simm.s32 @!p0 $0x1BF5;
	p2 =	por !p2, p0  }
0x20: {  	[sflag:s8] =	ssyncset.s32 @!p0 $0xFFFFF086;
	s6 =	sadd.s32 @!p0 s3, s7;
	s7 =	simm.s32 @!p0 $0x108  }
0x21: {  	s3 =	sadd.s32 s3, s9;
	s6 =	sadd.s32 @!p0 $0x88, s6;
	s7 =	simm.s32 @p2 $0x1082  }
0x22: {  	[simem:s7], [sflag:s8] =	dma.local @!p0 [hbm:s6], $0xF7A  }
0x23: {  	s9 =	sor.u32 $0xD0000000, s2;
	s6 =	simm.s32 $0x108;
	_ =	swait.ge @!p0 [sflag:s8], $0x0  }
0x24: {  	s3 =	sadd.s32 $0x88, s3;
	s6 =	simm.s32 @!p1 $0x1082;
	[sflag:s4] =	ssyncset.s32 $0xFFFFF086  }
0x25: {  	[simem:s6], [sflag:s4] =	dma.local [hbm:s3], $0xF7A  }
0x26: {  	[smem:$0x3F99] =	sst s1;
	(tag) =	ssettag s2;
	_ =	strace s9  }
0x27: {  	s1 =	sld [smem:$0x3FA9]  }
0x28: {  	s2 =	sld [smem:$0x3FAA]  }
0x29: {  	s4 =	sld [smem:$0x3FAC]  }
0x2a: {  	p0 =	seq.s32 s5, $0x0;
	s5 =	sld [smem:$0x3FAD]  }
0x2b: {  	s6 =	sld [smem:$0x3FAE]  }
0x2c: {  	s7 =	sld [smem:$0x3FAF]  }
0x2d: {  	s3 =	simm.s32 $0x108;
	s8 =	sld [smem:$0x3FB0]  }
0x2e: {  	s3 =	simm.s32 @!p0 $0x1082;
	s9 =	sld [smem:$0x3FB1]  }
0x2f: {  	lr =	sadd.s32 s0, s3;
	s0 =	sld [smem:$0x3FA8]  }
0x30: {  	s3 =	sld [smem:$0x3FAB]  }
0x31: {  	[smem:$0x3FB4] =	sst s10  }
0x32: {  	s10 =	sld [smem:$0x3FB2];
	_ =	sdelay $0x3  }
0x33: {  	p0 =	seq.s32 s10, $0x1;
	s10 =	sld [smem:$0x3FB4];
	_ =	sdelay $0x3  }
0x34: {  	[smem:$0x3FB4] =	sst s10  }
0x35: {  	s10 =	sld [smem:$0x3FB3];
	_ =	sdelay $0x3  }
0x36: {  	p1 =	seq.s32 s10, $0x1;
	s10 =	sld [smem:$0x3FB4];
	_ =	sdelay $0x3  }
0x37: {  	[smem:$0x3FB4] =	sst s10  }
0x38: {  	s10 =	sld [smem:$0x3FB5]  }
0x39: {  	_ = 	snop;
	(pc) =	sbr.ind lr, $3  }
0x3a: {  	_ = 	snop  }
0x3b: {  	_ = 	snop  }
0x3c: {  	p2 =	seq.s32 s10, $0x1;
	s10 =	sld [smem:$0x3FB4]  }
0x3d: {  	_ =	shalt  }
0x3e: {  	_ =	shalt  }
0x3f: {  	_ =	shalt  }
0x40: {  	_ =	shalt  }
0x41: {  	_ =	shalt  }
0x42: {  	_ =	shalt  }
0x43: {  	_ =	shalt  }
0x44: {  	_ =	shalt  }
0x45: {  	_ =	shalt  }
0x46: {  	_ =	shalt  }
0x47: {  	_ =	shalt  }
0x48: {  	_ =	shalt  }
0x49: {  	_ =	shalt  }
0x4a: {  	_ =	shalt  }
0x4b: {  	_ =	shalt  }
0x4c: {  	_ =	shalt  }
0x4d: {  	_ =	shalt  }
0x4e: {  	_ =	shalt  }
0x4f: {  	_ =	shalt  }
0x50: {  	_ =	shalt  }
0x51: {  	_ =	shalt  }
0x52: {  	_ =	shalt  }
0x53: {  	_ =	shalt  }
0x54: {  	_ =	shalt  }
0x55: {  	_ =	shalt  }
0x56: {  	_ =	shalt  }
0x57: {  	_ =	shalt  }
0x58: {  	_ =	shalt  }
0x59: {  	_ =	shalt  }
0x5a: {  	_ =	shalt  }
0x5b: {  	_ =	shalt  }
0x5c: {  	_ =	shalt  }
0x5d: {  	_ =	shalt  }
0x5e: {  	_ =	shalt  }
0x5f: {  	_ =	shalt  }
0x60: {  	_ =	shalt  }
0x61: {  	_ =	shalt  }
0x62: {  	_ =	shalt  }
0x63: {  	_ =	shalt  }
0x64: {  	_ =	shalt  }
0x65: {  	_ =	shalt  }
0x66: {  	_ =	shalt  }
0x67: {  	_ =	shalt  }
0x68: {  	_ =	shalt  }
0x69: {  	_ =	shalt  }
0x6a: {  	_ =	shalt  }
0x6b: {  	_ =	shalt  }
0x6c: {  	_ =	shalt  }
0x6d: {  	_ =	shalt  }
0x6e: {  	_ =	shalt  }
0x6f: {  	_ =	shalt  }
0x70: {  	_ =	shalt  }
0x71: {  	_ =	shalt  }
0x72: {  	_ =	shalt  }
0x73: {  	_ =	shalt  }
0x74: {  	_ =	shalt  }
0x75: {  	_ =	shalt  }
0x76: {  	_ =	shalt  }
0x77: {  	_ =	shalt  }
0x78: {  	_ =	shalt  }
0x79: {  	_ =	shalt  }
0x7a: {  	_ =	shalt  }
0x7b: {  	_ =	shalt  }
0x7c: {  	_ =	shalt  }
0x7d: {  	_ =	shalt  }
0x7e: {  	_ =	shalt  }
0x7f: {  	_ =	shalt  }
0x80: {  	_ =	shalt  }
0x81: {  	_ =	shalt  }
0x82: {  	_ =	shalt  }
0x83: {  	_ =	shalt  }
0x84: {  	_ =	shalt  }
0x85: {  	_ =	shalt  }
0x86: {  	_ =	shalt  }
0x87: {  	_ =	shalt  }
.Lfunc_end0:
.L_simem_size_0:
called_computation_lowered:
.L_overlay_start_0:
0x88: {  	s2 =	sld [smem:$0x3FD9]  }
0x89: {  	s3 =	sld [smem:$0x3FFE];
	_ =	sdelay $0x1  }
0x8a: {  	s1 =	srdreg.scid  }
0x8b: {  	s0 =	sand.u32 $0x1, s1  }
0x8c: {  	s17 =	sshll.u32 s0, $0xA;
	s2 =	sadd.s32 s3, s2  }
0x8d: {  	s2 =	sadd.s32 s2, s17  }
0x8e: {  	[smem:$0x3FC0] =	sst s2  }
0x8f: {  	_ = 	snop  }
0x90: {  	s2 =	sld [smem:$0x3FD0];
	(tm) =	ssettm $0x1  }
0x91: {  	s18 =	sld [smem:$0x3FFB];
	_ =	sdelay $0x3  }
0x92: {  	_ =	strace s18  }
0x93: {  	s3 =	sld [smem:$0x3FFC];
	_ =	sdelay $0x3  }
0x94: {  	_ =	strace s3  }
0x95: {  	s3 =	sld [smem:$0x3FFD];
	_ =	sdelay $0x3  }
0x96: {  	_ =	strace s3  }
0x97: {  	_ =	strace $0x8FFFFFFF  }
0x98: {  	s19 =	sld [smem:$0x3FDB];
	_ =	sdelay $0x1  }
0x99: {  	s4 =	simm.s32 $_scs_section_size  }
0x9a: {  	s5 =	simm.s32 $_size__tile_overlayer_lowered;
	s6 =	simm.s32 $_tile_overlayer_lowered  }
0x9b: {  	s22 =	simm.s32 $0x1BFF;
	s21 =	sshll.u32 s6, $0x1;
	s3 =	sadd.s32 s4, s19  }
0x9c: {  	s7 =	simm.s32 $0x0;
	s20 =	sshll.u32 s5, $0x1;
	s5 =	sadd.s32 s21, s3  }
0x9d: {  	[timem:s7], [sflag:s22] =	dma.local [hbm:s5], s20  }
0x9e: {  	_ =	swait.ge [sflag:s22], s20  }
0x9f: {  	s4 =	ssub.s32 $0x0, s20;
	[sflag:s22] =	ssyncset.done $0x0  }
0xa0: {  	[sflag:s22] =	ssyncadd.s32 s4;
	_ =	sdelay $0x1  }
0xa1: {  	s23 =	simm.s32 $0x1B8B  }
0xa2: {  	_ =	swait.ge [sflag:s23], $0x1  }
0xa3: {  	[sflag:s23] =	ssyncset.done $0x0  }
0xa4: {  	s25 =	simm.s32 $0x1B8E;
	s24 =	sld [smem:$0x3FFE];
	[sflag:s23] =	ssyncadd.s32 $0xFFFFFFFF  }
0xa5: {  	s26 =	simm.s32 $execute0_lowered;
	[smem:$0x3FD2] =	sst s25  }
0xa6: {  	s5 =	sshll.u32 s26, $0x1;
	_ =	strace $0x80000046;
	[dreg:$0x1] =	wrdreg $0xFFFFFFFF  }
0xa7: {  	s28 =	simm.s32 $_size_execute0_lowered;
	s3 =	sadd.s32 s3, s5;
	[dreg:$0x0] =	wrdreg $0x0  }
0xa8: {  	s5 =	sshll.u32 s28, $0x1;
	[dreg:$0x2] =	wrdreg s3  }
0xa9: {  	[dreg:$0x3] =	wrdreg s5  }
0xaa: {  	[dreg:$0x4] =	wrdreg $0xC0  }
0xab: {  	_ =	task [dreg:s7], $0x5FFFF  }
0xac: {  	[dreg:$0x1] =	wrdreg $0xFFFFFFFF  }
0xad: {  	[dreg:$0x0] =	wrdreg $0x60  }
0xae: {  	[dreg:$0x2] =	wrdreg s2  }
0xaf: {  	[dreg:$0x3] =	wrdreg s24  }
0xb0: {  	[dreg:$0x4] =	wrdreg $0x9  }
0xb1: {  	_ =	task.clear_ibuf [dreg:s7], $0x5FFFF;
	_ =	strace $0x90000046  }
0xb2: {  	s29 =	simm.s32 $0x9;
	_ =	strace $0x80000048  }
0xb3: {  	_ =	swait.ge [sflag:s29], $0x1  }
0xb4: {  	[sflag:s29] =	ssyncadd.s32 $0xFFFFFFFF  }
0xb5: {  	_ =	strace $0x90000048  }
0xb6: {  	_ =	sfence  }
0xb7: {  	s30 =	sld [smem:$0x0];
	_ =	sdelay $0x2  }
0xb8: {  	s31 =	sshll.u32 s1, $0xD;
	s1 =	sshrl.u32 s1, $0x2  }
0xb9: {  	s3 =	sand.u32 $0x4000, s31;
	s1 =	sadd.s32 s1, s30  }
0xba: {  	s0 =	sor.u32 s3, s0;
	s1 =	sshll.u32 s1, $0x11  }
0xbb: {  	s0 =	sor.u32 s1, s0  }
0xbc: {  	s0 =	sadd.s32 $0x8F2B, s0  }
0xbd: {  	[sflag:s0] =	ssyncadd.remote.s32 $0x1  }
0xbe: {  	_ =	sfence.sel $0xFFFF  }
0xbf: {  	[dreg:$0x0] =	wrdreg $0xFFFFFFFF;
	(pc) =	sbr.abs _section_cstart, $3  }
0xc0: {  	[dreg:$0x1] =	wrdreg $0xFFFFFFFF  }
0xc1: {  	_ =	task.clear_ibuf [dreg:s7], $0x2FFFF;
	_ =	strace $0x9FFFFFFF  }
0xc2: {  	(tm) =	ssettm $0x7FFFFFFF  }
0xc3: {  	_ =	shalt  }
tec
execute0_lowered:
.L_overlay_start_1:
0x0: {  	(tag) =	ssettag $0x1  }
0x1: {  	s0 =	rddreg [dreg:$0x0]  }
0x2: {  	s1 =	rddreg [dreg:$0x1];
	s2 =	srdreg.scid  }
0x3: {  	s3 =	stileid.u32;
	s30 =	simm.s32 $0x2;
	s31 =	simm.s32 $0x2400  }
0x4: {  	s28 =	simm.s32 $0x5000;
	s29 =	simm.s32 $0x5400;
	s4 =	sand.u32 $0x1, s2  }
0x5: {  	s2 =	simm.s32 $0x0;
	s3 =	sshll.u32 s3, $0x9;
	s6 =	sadd.s32 $0x1A00, s1  }
0x6: {  	s9 =	sadd.s32 $0x1A10, s1;
	s14 =	sadd.s32 $0x1A08, s1;
	s5 =	sshll.u32 s4, $0x8  }
0x7: {  	[smem:$0x7FF] =	sst s2;
	s4 =	ssub.s32 $0x2, s4;
	s5 =	sor.u32 s5, s3  }
0x8: {  	_ =	strace $0x80000047;
	s18 =	sshrl.u32 s4, $0x1;
	s3 =	sshrl.u32 s5, $0x3  }
0x9: {  	s8 =	sshrl.u32 s5, $0x2;
	s11 =	sor.u32 $0x80, s5;
	s5 =	sor.u32 $0xC0, s5  }
0xa: {  	s4 =	ssub.s32 s4, s18;
	s7 =	smul.u32 $0x180, s3;
	s3 =	sadd.s32 $0x2200, s1  }
0xb: {  	s10 =	sadd.s32 s8, s9;
	s12 =	sadd.s32 s6, s8;
	s15 =	sadd.s32 s8, s14  }
0xc: {  	s16 =	sshrl.u32 s11, $0x3;
	s20 =	sshrl.u32 s11, $0x2;
	[dreg:$0x3] =	wrdreg s10  }
0xd: {  	s21 =	sshrl.u32 s5, $0x3;
	s5 =	sshrl.u32 s5, $0x2;
	[dreg:$0x5] =	wrdreg s15  }
0xe: {  	[dreg:$0xe] =	wrdreg s12;
	s17 =	sadd.s32 $0x18, s12;
	s8 =	smul.u32 $0x180, s16  }
0xf: {  	s6 =	sadd.s32 s6, s20;
	s22 =	smul.u32 $0x180, s21;
	s23 =	sadd.s32 s20, s9  }
0x10: {  	s24 =	sand.u32 $0x7E0, s5;
	s26 =	sadd.s32 s5, s14;
	[dreg:$0x6] =	wrdreg s17  }
0x11: {  	s21 =	smax.u32 s4, $0x1;
	s10 =	simm.s32 $0x1;
	[dreg:$0x8] =	wrdreg s6  }
0x12: {  	s12 =	simm.s32 $0x6000;
	s20 =	simm.s32 $0x9000;
	[dreg:$0x9] =	wrdreg s23  }
0x13: {  	s7 =	sadd.s32 s0, s7;
	s25 =	sadd.s32 s24, s14;
	[dreg:$0xc] =	wrdreg s26  }
0x14: {  	s6 =	sadd.s32 $0x2300, s1;
	s23 =	simm.s32 $0x1400;
	[dreg:$0xd] =	wrdreg s7  }
0x15: {  	s24 =	simm.s32 $0x1800;
	s7 =	sadd.s32 $0xC00, s7;
	[dreg:$0xb] =	wrdreg s25  }
0x16: {  	v2 =	vlaneseq.u32;
	s26 =	simm.s32 $0x7800;
	s19 =	sadd.s32 s0, s8;
	[dreg:$0x4] =	wrdreg s7  }
0x17: {  	vm0 =	vmmov $0xffff;
	vm1 =	vmmov $0xff;
	v1 =	vshrl.u32 v2, $0x3;
	s0 =	sadd.s32 s0, s22;
	s22 =	simm.s32 $0xC00;
	[dreg:$0x7] =	wrdreg s19  }
0x18: {  	v0 =	vand.u32 $0x7, v2;
	v2 =	vor.u32 $0x8, v2;
	v1 =	vmul.u32 $0x8, v1;
	s25 =	simm.s32 $0x2000;
	[dreg:$0xa] =	wrdreg s0;
	s19 =	simm.s32 $0x8C00  }
.LBB2_1:
0x19: {  	s17 =	rddreg [dreg:$0xd]  }
0x1a: {  	[tilespmem:s2], [sflag:$0x1] =	stream.linear.gather [hbm4b:s17+s2], $0x6000, $0x38;
	[tilespmem:$0xC200] =	vst v63  }
0x1b: {  	s18 =	rddreg [dreg:$0xe];
	s0 =	simm.s32 $0xC000  }
0x1c: {  	[tilespmem:s0], [sflag:$0x1] =	stream.linear.gather [hbm4b:s18+s2], $0x40, $0x38;
	[tilespmem:$0xC200] =	vst v63  }
0x1d: {  	s5 =	rddreg [dreg:$0x3];
	s7 =	simm.s32 $0xC100  }
0x1e: {  	[tilespmem:s7], [sflag:$0x1] =	stream.linear.gather [hbm4b:s5+s2], $0x40, $0x38;
	[tilespmem:$0xC200] =	vst v63  }
0x1f: {  	_ =	swait.ge [sflag:s10], $0x6000  }
0x20: {  	[sflag:s10] =	ssyncset.done $0x0  }
0x21: {  	[sflag:s10] =	ssyncadd.s32 $0xFFFFA000  }
0x22: {  	_ =	swait.ge [sflag:s10], $0x40  }
0x23: {  	[sflag:s10] =	ssyncset.done $0x0  }
0x24: {  	[sflag:s10] =	ssyncadd.s32 $0xFFFFFFC0  }
0x25: {  	_ =	swait.ge [sflag:s10], $0x40  }
0x26: {  	[sflag:s10] =	ssyncset.done $0x0  }
0x27: {  	[sflag:s10] =	ssyncadd.s32 $0xFFFFFFC0  }
0x28: {  	v3 =	vld [tilespmem:$0xC000];
	_ =	sdelay $0x4  }
0x29: {  	v4 =	vshrl.u32 v3, $0x3  }
0x2a: {  	v4 =	vmul.u32 $0x18, v4  }
0x2b: {  	v3 =	vand.u32 $0x7, v3  }
0x2c: {  	v3 =	vor.u32 v3, v4  }
0x2d: {  	v4 =	vperm.xlane v3, v0;
	_ =	sdelay $0x1  }
0x2e: {  	v4 =	vadd.s32 v1, v4;
	_ =	sdelay $0x1  }
0x2f: {  	v3 =	vperm.xlane v3, v2;
	_ =	sdelay $0x1  }
0x30: {  	v3 =	vadd.s32 v1, v3  }
0x31: {  	[hbm4b:s3+s2] =	stream.indirect_vreg.scatter [tilespmem:s2], [sflag:$0x2], $0x80, v4, vm0, $0xb8;
	[tilespmem:$0xC200] =	vst v63  }
0x32: {  	s8 =	simm.s32 $0x800  }
0x33: {  	[hbm4b:s6+s2] =	stream.indirect_vreg.scatter [tilespmem:s8], [sflag:$0x2], $0x80, v4, vm1, $0xb8;
	[tilespmem:$0xC200] =	vst v63  }
0x34: {  	_ = 	snop  }
0x35: {  	[hbm4b:s3+s2] =	stream.indirect_vreg.scatter [tilespmem:s22], [sflag:$0x2], $0x80, v3, vm0, $0xb8;
	[tilespmem:$0xC200] =	vst v63  }
0x36: {  	_ = 	snop  }
0x37: {  	[hbm4b:s6+s2] =	stream.indirect_vreg.scatter [tilespmem:s23], [sflag:$0x2], $0x80, v3, vm1, $0xb8;
	[tilespmem:$0xC200] =	vst v63  }
0x38: {  	v3 =	vld [tilespmem:$0xC010];
	_ =	sdelay $0x4  }
0x39: {  	v33 =	vshrl.u32 v3, $0x3  }
0x3a: {  	v4 =	vmul.u32 $0x18, v33  }
0x3b: {  	v3 =	vand.u32 $0x7, v3  }
0x3c: {  	v3 =	vor.u32 v3, v4  }
0x3d: {  	v4 =	vperm.xlane v3, v0;
	_ =	sdelay $0x1  }
0x3e: {  	v4 =	vadd.s32 v1, v4;
	_ =	sdelay $0x1  }
0x3f: {  	v3 =	vperm.xlane v3, v2;
	_ =	sdelay $0x1  }
0x40: {  	v3 =	vadd.s32 v1, v3  }
0x41: {  	[hbm4b:s3+s2] =	stream.indirect_vreg.scatter [tilespmem:s24], [sflag:$0x2], $0x80, v4, vm0, $0xb8;
	[tilespmem:$0xC200] =	vst v63  }
0x42: {  	_ = 	snop  }
0x43: {  	[hbm4b:s6+s2] =	stream.indirect_vreg.scatter [tilespmem:s25], [sflag:$0x2], $0x80, v4, vm1, $0xb8;
	[tilespmem:$0xC200] =	vst v63  }
0x44: {  	_ = 	snop  }
0x45: {  	[hbm4b:s3+s2] =	stream.indirect_vreg.scatter [tilespmem:s31], [sflag:$0x2], $0x80, v3, vm0, $0xb8;
	[tilespmem:$0xC200] =	vst v63  }
0x46: {  	s9 =	simm.s32 $0x2C00  }
0x47: {  	[hbm4b:s6+s2] =	stream.indirect_vreg.scatter [tilespmem:s9], [sflag:$0x2], $0x80, v3, vm1, $0xb8;
	[tilespmem:$0xC200] =	vst v63  }
0x48: {  	v3 =	vld [tilespmem:$0xC020];
	_ =	sdelay $0x4  }
0x49: {  	v34 =	vshrl.u32 v3, $0x3  }
0x4a: {  	v4 =	vmul.u32 $0x18, v34  }
0x4b: {  	v3 =	vand.u32 $0x7, v3  }
0x4c: {  	v3 =	vor.u32 v3, v4  }
0x4d: {  	v4 =	vperm.xlane v3, v0;
	_ =	sdelay $0x1  }
0x4e: {  	v4 =	vadd.s32 v1, v4;
	_ =	sdelay $0x1  }
0x4f: {  	v3 =	vperm.xlane v3, v2;
	_ =	sdelay $0x1  }
0x50: {  	s13 =	simm.s32 $0x3000;
	v3 =	vadd.s32 v1, v3  }
0x51: {  	[hbm4b:s3+s2] =	stream.indirect_vreg.scatter [tilespmem:s13], [sflag:$0x2], $0x80, v4, vm0, $0xb8;
	[tilespmem:$0xC200] =	vst v63  }
0x52: {  	s14 =	simm.s32 $0x3800  }
0x53: {  	[hbm4b:s6+s2] =	stream.indirect_vreg.scatter [tilespmem:s14], [sflag:$0x2], $0x80, v4, vm1, $0xb8;
	[tilespmem:$0xC200] =	vst v63  }
0x54: {  	s15 =	simm.s32 $0x3C00  }
0x55: {  	[hbm4b:s3+s2] =	stream.indirect_vreg.scatter [tilespmem:s15], [sflag:$0x2], $0x80, v3, vm0, $0xb8;
	[tilespmem:$0xC200] =	vst v63  }
0x56: {  	s16 =	simm.s32 $0x4400  }
0x57: {  	[hbm4b:s6+s2] =	stream.indirect_vreg.scatter [tilespmem:s16], [sflag:$0x2], $0x80, v3, vm1, $0xb8;
	[tilespmem:$0xC200] =	vst v63  }
0x58: {  	v3 =	vld [tilespmem:$0xC030];
	_ =	sdelay $0x4  }
0x59: {  	v35 =	vshrl.u32 v3, $0x3  }
0x5a: {  	v4 =	vmul.u32 $0x18, v35  }
0x5b: {  	v3 =	vand.u32 $0x7, v3  }
0x5c: {  	v3 =	vor.u32 v3, v4  }
0x5d: {  	v4 =	vperm.xlane v3, v0;
	_ =	sdelay $0x1  }
0x5e: {  	v4 =	vadd.s32 v1, v4;
	_ =	sdelay $0x1  }
0x5f: {  	v3 =	vperm.xlane v3, v2;
	_ =	sdelay $0x1  }
0x60: {  	s9 =	simm.s32 $0x4800;
	v3 =	vadd.s32 v1, v3  }
0x61: {  	[hbm4b:s3+s2] =	stream.indirect_vreg.scatter [tilespmem:s9], [sflag:$0x2], $0x80, v4, vm0, $0xb8;
	[tilespmem:$0xC200] =	vst v63  }
0x62: {  	_ = 	snop  }
0x63: {  	[hbm4b:s6+s2] =	stream.indirect_vreg.scatter [tilespmem:s28], [sflag:$0x2], $0x80, v4, vm1, $0xb8;
	[tilespmem:$0xC200] =	vst v63  }
0x64: {  	_ = 	snop  }
0x65: {  	[hbm4b:s3+s2] =	stream.indirect_vreg.scatter [tilespmem:s29], [sflag:$0x2], $0x80, v3, vm0, $0xb8;
	[tilespmem:$0xC200] =	vst v63  }
0x66: {  	s17 =	simm.s32 $0x5C00  }
0x67: {  	[hbm4b:s6+s2] =	stream.indirect_vreg.scatter [tilespmem:s17], [sflag:$0x2], $0x80, v3, vm1, $0xb8;
	[tilespmem:$0xC200] =	vst v63  }
0x68: {  	v3 =	vld [tilespmem:$0xC100];
	_ =	sdelay $0x4  }
0x69: {  	v36 =	vshrl.u32 v3, $0x3  }
0x6a: {  	v4 =	vmul.u32 $0x18, v36  }
0x6b: {  	v3 =	vand.u32 $0x7, v3  }
0x6c: {  	v3 =	vor.u32 v3, v4  }
0x6d: {  	v4 =	vperm.xlane v3, v0;
	_ =	sdelay $0x1  }
0x6e: {  	v4 =	vadd.s32 v1, v4;
	_ =	sdelay $0x1  }
0x6f: {  	v3 =	vperm.xlane v3, v2;
	_ =	sdelay $0x1  }
0x70: {  	v3 =	vadd.s32 v1, v3  }
0x71: {  	[hbm4b:s3+s2] =	stream.indirect_vreg.scatter [tilespmem:s2], [sflag:$0x2], $0x80, v4, vm0, $0xb8;
	[tilespmem:$0xC200] =	vst v63  }
0x72: {  	s11 =	simm.s32 $0x800  }
0x73: {  	[hbm4b:s6+s2] =	stream.indirect_vreg.scatter [tilespmem:s11], [sflag:$0x2], $0x80, v4, vm1, $0xb8;
	[tilespmem:$0xC200] =	vst v63  }
0x74: {  	_ = 	snop  }
0x75: {  	[hbm4b:s3+s2] =	stream.indirect_vreg.scatter [tilespmem:s22], [sflag:$0x2], $0x80, v3, vm0, $0xb8;
	[tilespmem:$0xC200] =	vst v63  }
0x76: {  	_ = 	snop  }
0x77: {  	[hbm4b:s6+s2] =	stream.indirect_vreg.scatter [tilespmem:s23], [sflag:$0x2], $0x80, v3, vm1, $0xb8;
	[tilespmem:$0xC200] =	vst v63  }
0x78: {  	v3 =	vld [tilespmem:$0xC110];
	_ =	sdelay $0x4  }
0x79: {  	v37 =	vshrl.u32 v3, $0x3  }
0x7a: {  	v4 =	vmul.u32 $0x18, v37  }
0x7b: {  	v3 =	vand.u32 $0x7, v3  }
0x7c: {  	v3 =	vor.u32 v3, v4  }
0x7d: {  	v4 =	vperm.xlane v3, v0;
	_ =	sdelay $0x1  }
0x7e: {  	v4 =	vadd.s32 v1, v4;
	_ =	sdelay $0x1  }
0x7f: {  	v3 =	vperm.xlane v3, v2;
	_ =	sdelay $0x1  }
0x80: {  	v3 =	vadd.s32 v1, v3  }
0x81: {  	[hbm4b:s3+s2] =	stream.indirect_vreg.scatter [tilespmem:s24], [sflag:$0x2], $0x80, v4, vm0, $0xb8;
	[tilespmem:$0xC200] =	vst v63  }
0x82: {  	_ = 	snop  }
0x83: {  	[hbm4b:s6+s2] =	stream.indirect_vreg.scatter [tilespmem:s25], [sflag:$0x2], $0x80, v4, vm1, $0xb8;
	[tilespmem:$0xC200] =	vst v63  }
0x84: {  	_ = 	snop  }
0x85: {  	[hbm4b:s3+s2] =	stream.indirect_vreg.scatter [tilespmem:s31], [sflag:$0x2], $0x80, v3, vm0, $0xb8;
	[tilespmem:$0xC200] =	vst v63  }
0x86: {  	s8 =	simm.s32 $0x2C00  }
0x87: {  	[hbm4b:s6+s2] =	stream.indirect_vreg.scatter [tilespmem:s8], [sflag:$0x2], $0x80, v3, vm1, $0xb8;
	[tilespmem:$0xC200] =	vst v63  }
0x88: {  	v3 =	vld [tilespmem:$0xC120];
	_ =	sdelay $0x4  }
0x89: {  	v38 =	vshrl.u32 v3, $0x3  }
0x8a: {  	v4 =	vmul.u32 $0x18, v38  }
0x8b: {  	v3 =	vand.u32 $0x7, v3  }
0x8c: {  	v3 =	vor.u32 v3, v4  }
0x8d: {  	v4 =	vperm.xlane v3, v0;
	_ =	sdelay $0x1  }
0x8e: {  	v4 =	vadd.s32 v1, v4;
	_ =	sdelay $0x1  }
0x8f: {  	v3 =	vperm.xlane v3, v2;
	_ =	sdelay $0x1  }
0x90: {  	s4 =	simm.s32 $0x3000;
	v3 =	vadd.s32 v1, v3  }
0x91: {  	[hbm4b:s3+s2] =	stream.indirect_vreg.scatter [tilespmem:s4], [sflag:$0x2], $0x80, v4, vm0, $0xb8;
	[tilespmem:$0xC200] =	vst v63  }
0x92: {  	s1 =	simm.s32 $0x3800  }
0x93: {  	[hbm4b:s6+s2] =	stream.indirect_vreg.scatter [tilespmem:s1], [sflag:$0x2], $0x80, v4, vm1, $0xb8;
	[tilespmem:$0xC200] =	vst v63  }
0x94: {  	s5 =	simm.s32 $0x3C00  }
0x95: {  	[hbm4b:s3+s2] =	stream.indirect_vreg.scatter [tilespmem:s5], [sflag:$0x2], $0x80, v3, vm0, $0xb8;
	[tilespmem:$0xC200] =	vst v63  }
0x96: {  	s7 =	simm.s32 $0x4400  }
0x97: {  	[hbm4b:s6+s2] =	stream.indirect_vreg.scatter [tilespmem:s7], [sflag:$0x2], $0x80, v3, vm1, $0xb8;
	[tilespmem:$0xC200] =	vst v63  }
0x98: {  	v3 =	vld [tilespmem:$0xC130];
	_ =	sdelay $0x4  }
0x99: {  	v39 =	vshrl.u32 v3, $0x3  }
0x9a: {  	v4 =	vmul.u32 $0x18, v39  }
0x9b: {  	v3 =	vand.u32 $0x7, v3  }
0x9c: {  	v3 =	vor.u32 v3, v4  }
0x9d: {  	v4 =	vperm.xlane v3, v0;
	_ =	sdelay $0x1  }
0x9e: {  	v4 =	vadd.s32 v1, v4;
	_ =	sdelay $0x1  }
0x9f: {  	v3 =	vperm.xlane v3, v2;
	_ =	sdelay $0x1  }
0xa0: {  	v3 =	vadd.s32 v1, v3  }
0xa1: {  	[hbm4b:s3+s2] =	stream.indirect_vreg.scatter [tilespmem:s9], [sflag:$0x2], $0x80, v4, vm0, $0xb8;
	[tilespmem:$0xC200] =	vst v63  }
0xa2: {  	_ = 	snop  }
0xa3: {  	[hbm4b:s6+s2] =	stream.indirect_vreg.scatter [tilespmem:s28], [sflag:$0x2], $0x80, v4, vm1, $0xb8;
	[tilespmem:$0xC200] =	vst v63  }
0xa4: {  	_ = 	snop  }
0xa5: {  	[hbm4b:s3+s2] =	stream.indirect_vreg.scatter [tilespmem:s29], [sflag:$0x2], $0x80, v3, vm0, $0xb8;
	[tilespmem:$0xC200] =	vst v63  }
0xa6: {  	s18 =	simm.s32 $0x5C00  }
0xa7: {  	[hbm4b:s6+s2] =	stream.indirect_vreg.scatter [tilespmem:s18], [sflag:$0x2], $0x80, v3, vm1, $0xb8;
	[tilespmem:$0xC200] =	vst v63  }
0xa8: {  	s5 =	rddreg [dreg:$0x4]  }
0xa9: {  	[tilespmem:s12], [sflag:$0x1] =	stream.linear.gather [hbm4b:s5+s2], $0x6000, $0x38;
	[tilespmem:$0xC200] =	vst v63  }
0xaa: {  	s11 =	simm.s32 $0xC080;
	s7 =	rddreg [dreg:$0x5]  }
0xab: {  	[tilespmem:s11], [sflag:$0x1] =	stream.linear.gather [hbm4b:s7+s2], $0x40, $0x38;
	[tilespmem:$0xC200] =	vst v63  }
0xac: {  	s13 =	simm.s32 $0xC180;
	s8 =	rddreg [dreg:$0x6]  }
0xad: {  	[tilespmem:s13], [sflag:$0x1] =	stream.linear.gather [hbm4b:s8+s2], $0x40, $0x38;
	[tilespmem:$0xC200] =	vst v63  }
0xae: {  	_ =	swait.ge [sflag:s10], $0x6000  }
0xaf: {  	[sflag:s10] =	ssyncset.done $0x0  }
0xb0: {  	[sflag:s10] =	ssyncadd.s32 $0xFFFFA000  }
0xb1: {  	_ =	swait.ge [sflag:s10], $0x40  }
0xb2: {  	[sflag:s10] =	ssyncset.done $0x0  }
0xb3: {  	[sflag:s10] =	ssyncadd.s32 $0xFFFFFFC0  }
0xb4: {  	_ =	swait.ge [sflag:s10], $0x40  }
0xb5: {  	[sflag:s10] =	ssyncset.done $0x0  }
0xb6: {  	[sflag:s10] =	ssyncadd.s32 $0xFFFFFFC0  }
0xb7: {  	_ =	swait.ge [sflag:s30], $0x6000  }
0xb8: {  	[sflag:s30] =	ssyncset.done $0x0  }
0xb9: {  	[sflag:s30] =	ssyncadd.s32 $0xFFFFA000  }
0xba: {  	_ =	swait.ge [sflag:s30], $0x6000  }
0xbb: {  	[sflag:s30] =	ssyncset.done $0x0  }
0xbc: {  	[sflag:s30] =	ssyncadd.s32 $0xFFFFA000  }
0xbd: {  	v3 =	vld [tilespmem:$0xC080];
	_ =	sdelay $0x4  }
0xbe: {  	v40 =	vshrl.u32 v3, $0x3  }
0xbf: {  	v4 =	vmul.u32 $0x18, v40  }
0xc0: {  	v3 =	vand.u32 $0x7, v3  }
0xc1: {  	v3 =	vor.u32 v3, v4  }
0xc2: {  	v4 =	vperm.xlane v3, v0;
	_ =	sdelay $0x1  }
0xc3: {  	v4 =	vadd.s32 v1, v4;
	_ =	sdelay $0x1  }
0xc4: {  	v3 =	vperm.xlane v3, v2;
	_ =	sdelay $0x1  }
0xc5: {  	v3 =	vadd.s32 v1, v3  }
0xc6: {  	[hbm4b:s3+s2] =	stream.indirect_vreg.scatter [tilespmem:s12], [sflag:$0x2], $0x80, v4, vm0, $0xb8;
	[tilespmem:$0xC200] =	vst v63  }
0xc7: {  	s14 =	simm.s32 $0x6800  }
0xc8: {  	[hbm4b:s6+s2] =	stream.indirect_vreg.scatter [tilespmem:s14], [sflag:$0x2], $0x80, v4, vm1, $0xb8;
	[tilespmem:$0xC200] =	vst v63  }
0xc9: {  	s15 =	simm.s32 $0x6C00  }
0xca: {  	[hbm4b:s3+s2] =	stream.indirect_vreg.scatter [tilespmem:s15], [sflag:$0x2], $0x80, v3, vm0, $0xb8;
	[tilespmem:$0xC200] =	vst v63  }
0xcb: {  	s16 =	simm.s32 $0x7400  }
0xcc: {  	[hbm4b:s6+s2] =	stream.indirect_vreg.scatter [tilespmem:s16], [sflag:$0x2], $0x80, v3, vm1, $0xb8;
	[tilespmem:$0xC200] =	vst v63  }
0xcd: {  	v3 =	vld [tilespmem:$0xC090];
	_ =	sdelay $0x4  }
0xce: {  	v41 =	vshrl.u32 v3, $0x3  }
0xcf: {  	v4 =	vmul.u32 $0x18, v41  }
0xd0: {  	v3 =	vand.u32 $0x7, v3  }
0xd1: {  	v3 =	vor.u32 v3, v4  }
0xd2: {  	v4 =	vperm.xlane v3, v0;
	_ =	sdelay $0x1  }
0xd3: {  	v4 =	vadd.s32 v1, v4;
	_ =	sdelay $0x1  }
0xd4: {  	v3 =	vperm.xlane v3, v2;
	_ =	sdelay $0x1  }
0xd5: {  	v3 =	vadd.s32 v1, v3  }
0xd6: {  	[hbm4b:s3+s2] =	stream.indirect_vreg.scatter [tilespmem:s26], [sflag:$0x2], $0x80, v4, vm0, $0xb8;
	[tilespmem:$0xC200] =	vst v63  }
0xd7: {  	s17 =	simm.s32 $0x8000  }
0xd8: {  	[hbm4b:s6+s2] =	stream.indirect_vreg.scatter [tilespmem:s17], [sflag:$0x2], $0x80, v4, vm1, $0xb8;
	[tilespmem:$0xC200] =	vst v63  }
0xd9: {  	s18 =	simm.s32 $0x8400  }
0xda: {  	[hbm4b:s3+s2] =	stream.indirect_vreg.scatter [tilespmem:s18], [sflag:$0x2], $0x80, v3, vm0, $0xb8;
	[tilespmem:$0xC200] =	vst v63  }
0xdb: {  	s1 =	simm.s32 $0x8C00  }
0xdc: {  	[hbm4b:s6+s2] =	stream.indirect_vreg.scatter [tilespmem:s1], [sflag:$0x2], $0x80, v3, vm1, $0xb8;
	[tilespmem:$0xC200] =	vst v63  }
0xdd: {  	v3 =	vld [tilespmem:$0xC0A0];
	_ =	sdelay $0x4  }
0xde: {  	v42 =	vshrl.u32 v3, $0x3  }
0xdf: {  	v4 =	vmul.u32 $0x18, v42  }
0xe0: {  	v3 =	vand.u32 $0x7, v3  }
0xe1: {  	v3 =	vor.u32 v3, v4  }
0xe2: {  	v4 =	vperm.xlane v3, v0;
	_ =	sdelay $0x1  }
0xe3: {  	v4 =	vadd.s32 v1, v4;
	_ =	sdelay $0x1  }
0xe4: {  	v3 =	vperm.xlane v3, v2;
	_ =	sdelay $0x1  }
0xe5: {  	s4 =	simm.s32 $0x9000;
	v3 =	vadd.s32 v1, v3  }
0xe6: {  	[hbm4b:s3+s2] =	stream.indirect_vreg.scatter [tilespmem:s4], [sflag:$0x2], $0x80, v4, vm0, $0xb8;
	[tilespmem:$0xC200] =	vst v63  }
0xe7: {  	s5 =	simm.s32 $0x9800  }
0xe8: {  	[hbm4b:s6+s2] =	stream.indirect_vreg.scatter [tilespmem:s5], [sflag:$0x2], $0x80, v4, vm1, $0xb8;
	[tilespmem:$0xC200] =	vst v63  }
0xe9: {  	s7 =	simm.s32 $0x9C00  }
0xea: {  	[hbm4b:s3+s2] =	stream.indirect_vreg.scatter [tilespmem:s7], [sflag:$0x2], $0x80, v3, vm0, $0xb8;
	[tilespmem:$0xC200] =	vst v63  }
0xeb: {  	s8 =	simm.s32 $0xA400  }
0xec: {  	[hbm4b:s6+s2] =	stream.indirect_vreg.scatter [tilespmem:s8], [sflag:$0x2], $0x80, v3, vm1, $0xb8;
	[tilespmem:$0xC200] =	vst v63  }
0xed: {  	v3 =	vld [tilespmem:$0xC0B0];
	_ =	sdelay $0x4  }
0xee: {  	v43 =	vshrl.u32 v3, $0x3  }
0xef: {  	v4 =	vmul.u32 $0x18, v43  }
0xf0: {  	v3 =	vand.u32 $0x7, v3  }
0xf1: {  	v3 =	vor.u32 v3, v4  }
0xf2: {  	v4 =	vperm.xlane v3, v0;
	_ =	sdelay $0x1  }
0xf3: {  	v4 =	vadd.s32 v1, v4;
	_ =	sdelay $0x1  }
0xf4: {  	v3 =	vperm.xlane v3, v2;
	_ =	sdelay $0x1  }
0xf5: {  	s1 =	simm.s32 $0xA800;
	v3 =	vadd.s32 v1, v3  }
0xf6: {  	[hbm4b:s3+s2] =	stream.indirect_vreg.scatter [tilespmem:s1], [sflag:$0x2], $0x80, v4, vm0, $0xb8;
	[tilespmem:$0xC200] =	vst v63  }
0xf7: {  	s4 =	simm.s32 $0xB000  }
0xf8: {  	[hbm4b:s6+s2] =	stream.indirect_vreg.scatter [tilespmem:s4], [sflag:$0x2], $0x80, v4, vm1, $0xb8;
	[tilespmem:$0xC200] =	vst v63  }
0xf9: {  	s5 =	simm.s32 $0xB400  }
0xfa: {  	[hbm4b:s3+s2] =	stream.indirect_vreg.scatter [tilespmem:s5], [sflag:$0x2], $0x80, v3, vm0, $0xb8;
	[tilespmem:$0xC200] =	vst v63  }
0xfb: {  	s8 =	simm.s32 $0xBC00  }
0xfc: {  	[hbm4b:s6+s2] =	stream.indirect_vreg.scatter [tilespmem:s8], [sflag:$0x2], $0x80, v3, vm1, $0xb8;
	[tilespmem:$0xC200] =	vst v63  }
0xfd: {  	v3 =	vld [tilespmem:$0xC180];
	_ =	sdelay $0x4  }
0xfe: {  	v44 =	vshrl.u32 v3, $0x3  }
0xff: {  	v4 =	vmul.u32 $0x18, v44  }
0x100: {  	v3 =	vand.u32 $0x7, v3  }
0x101: {  	v3 =	vor.u32 v3, v4  }
0x102: {  	v4 =	vperm.xlane v3, v0;
	_ =	sdelay $0x1  }
0x103: {  	v4 =	vadd.s32 v1, v4;
	_ =	sdelay $0x1  }
0x104: {  	v3 =	vperm.xlane v3, v2;
	_ =	sdelay $0x1  }
0x105: {  	v3 =	vadd.s32 v1, v3  }
0x106: {  	[hbm4b:s3+s2] =	stream.indirect_vreg.scatter [tilespmem:s12], [sflag:$0x2], $0x80, v4, vm0, $0xb8;
	[tilespmem:$0xC200] =	vst v63  }
0x107: {  	s14 =	simm.s32 $0x6800  }
0x108: {  	[hbm4b:s6+s2] =	stream.indirect_vreg.scatter [tilespmem:s14], [sflag:$0x2], $0x80, v4, vm1, $0xb8;
	[tilespmem:$0xC200] =	vst v63  }
0x109: {  	s15 =	simm.s32 $0x6C00  }
0x10a: {  	[hbm4b:s3+s2] =	stream.indirect_vreg.scatter [tilespmem:s15], [sflag:$0x2], $0x80, v3, vm0, $0xb8;
	[tilespmem:$0xC200] =	vst v63  }
0x10b: {  	s16 =	simm.s32 $0x7400  }
0x10c: {  	[hbm4b:s6+s2] =	stream.indirect_vreg.scatter [tilespmem:s16], [sflag:$0x2], $0x80, v3, vm1, $0xb8;
	[tilespmem:$0xC200] =	vst v63  }
0x10d: {  	v3 =	vld [tilespmem:$0xC190];
	_ =	sdelay $0x4  }
0x10e: {  	v45 =	vshrl.u32 v3, $0x3  }
0x10f: {  	v4 =	vmul.u32 $0x18, v45  }
0x110: {  	v3 =	vand.u32 $0x7, v3  }
0x111: {  	v3 =	vor.u32 v3, v4  }
0x112: {  	v4 =	vperm.xlane v3, v0;
	_ =	sdelay $0x1  }
0x113: {  	v4 =	vadd.s32 v1, v4;
	_ =	sdelay $0x1  }
0x114: {  	v3 =	vperm.xlane v3, v2;
	_ =	sdelay $0x1  }
0x115: {  	v3 =	vadd.s32 v1, v3  }
0x116: {  	[hbm4b:s3+s2] =	stream.indirect_vreg.scatter [tilespmem:s26], [sflag:$0x2], $0x80, v4, vm0, $0xb8;
	[tilespmem:$0xC200] =	vst v63  }
0x117: {  	s11 =	simm.s32 $0x8000  }
0x118: {  	[hbm4b:s6+s2] =	stream.indirect_vreg.scatter [tilespmem:s11], [sflag:$0x2], $0x80, v4, vm1, $0xb8;
	[tilespmem:$0xC200] =	vst v63  }
0x119: {  	s13 =	simm.s32 $0x8400  }
0x11a: {  	[hbm4b:s3+s2] =	stream.indirect_vreg.scatter [tilespmem:s13], [sflag:$0x2], $0x80, v3, vm0, $0xb8;
	[tilespmem:$0xC200] =	vst v63  }
0x11b: {  	_ = 	snop  }
0x11c: {  	[hbm4b:s6+s2] =	stream.indirect_vreg.scatter [tilespmem:s19], [sflag:$0x2], $0x80, v3, vm1, $0xb8;
	[tilespmem:$0xC200] =	vst v63  }
0x11d: {  	v3 =	vld [tilespmem:$0xC1A0];
	_ =	sdelay $0x4  }
0x11e: {  	v46 =	vshrl.u32 v3, $0x3  }
0x11f: {  	v4 =	vmul.u32 $0x18, v46  }
0x120: {  	v3 =	vand.u32 $0x7, v3  }
0x121: {  	v3 =	vor.u32 v3, v4  }
0x122: {  	v4 =	vperm.xlane v3, v0;
	_ =	sdelay $0x1  }
0x123: {  	v4 =	vadd.s32 v1, v4;
	_ =	sdelay $0x1  }
0x124: {  	v3 =	vperm.xlane v3, v2;
	_ =	sdelay $0x1  }
0x125: {  	v3 =	vadd.s32 v1, v3  }
0x126: {  	[hbm4b:s3+s2] =	stream.indirect_vreg.scatter [tilespmem:s20], [sflag:$0x2], $0x80, v4, vm0, $0xb8;
	[tilespmem:$0xC200] =	vst v63  }
0x127: {  	s18 =	simm.s32 $0x9800  }
0x128: {  	[hbm4b:s6+s2] =	stream.indirect_vreg.scatter [tilespmem:s18], [sflag:$0x2], $0x80, v4, vm1, $0xb8;
	[tilespmem:$0xC200] =	vst v63  }
0x129: {  	s0 =	simm.s32 $0x9C00  }
0x12a: {  	[hbm4b:s3+s2] =	stream.indirect_vreg.scatter [tilespmem:s0], [sflag:$0x2], $0x80, v3, vm0, $0xb8;
	[tilespmem:$0xC200] =	vst v63  }
0x12b: {  	s7 =	simm.s32 $0xA400  }
0x12c: {  	[hbm4b:s6+s2] =	stream.indirect_vreg.scatter [tilespmem:s7], [sflag:$0x2], $0x80, v3, vm1, $0xb8;
	[tilespmem:$0xC200] =	vst v63  }
0x12d: {  	v3 =	vld [tilespmem:$0xC1B0];
	_ =	sdelay $0x4  }
0x12e: {  	v47 =	vshrl.u32 v3, $0x3  }
0x12f: {  	v4 =	vmul.u32 $0x18, v47  }
0x130: {  	v3 =	vand.u32 $0x7, v3  }
0x131: {  	v3 =	vor.u32 v3, v4  }
0x132: {  	v4 =	vperm.xlane v3, v0;
	_ =	sdelay $0x1  }
0x133: {  	v4 =	vadd.s32 v1, v4;
	_ =	sdelay $0x1  }
0x134: {  	v3 =	vperm.xlane v3, v2;
	_ =	sdelay $0x1  }
0x135: {  	s1 =	simm.s32 $0xA800;
	v3 =	vadd.s32 v1, v3  }
0x136: {  	[hbm4b:s3+s2] =	stream.indirect_vreg.scatter [tilespmem:s1], [sflag:$0x2], $0x80, v4, vm0, $0xb8;
	[tilespmem:$0xC200] =	vst v63  }
0x137: {  	s4 =	simm.s32 $0xB000  }
0x138: {  	[hbm4b:s6+s2] =	stream.indirect_vreg.scatter [tilespmem:s4], [sflag:$0x2], $0x80, v4, vm1, $0xb8;
	[tilespmem:$0xC200] =	vst v63  }
0x139: {  	s5 =	simm.s32 $0xB400  }
0x13a: {  	[hbm4b:s3+s2] =	stream.indirect_vreg.scatter [tilespmem:s5], [sflag:$0x2], $0x80, v3, vm0, $0xb8;
	[tilespmem:$0xC200] =	vst v63  }
0x13b: {  	s17 =	simm.s32 $0xBC00  }
0x13c: {  	[hbm4b:s6+s2] =	stream.indirect_vreg.scatter [tilespmem:s17], [sflag:$0x2], $0x80, v3, vm1, $0xb8;
	[tilespmem:$0xC200] =	vst v63  }
0x13d: {  	s0 =	rddreg [dreg:$0x7]  }
0x13e: {  	[tilespmem:s2], [sflag:$0x1] =	stream.linear.gather [hbm4b:s0+s2], $0x6000, $0x38;
	[tilespmem:$0xC200] =	vst v63  }
0x13f: {  	s1 =	rddreg [dreg:$0x8];
	s5 =	simm.s32 $0xC000  }
0x140: {  	[tilespmem:s5], [sflag:$0x1] =	stream.linear.gather [hbm4b:s1+s2], $0x40, $0x38;
	[tilespmem:$0xC200] =	vst v63  }
0x141: {  	s7 =	simm.s32 $0xC100;
	s4 =	rddreg [dreg:$0x9]  }
0x142: {  	[tilespmem:s7], [sflag:$0x1] =	stream.linear.gather [hbm4b:s4+s2], $0x40, $0x38;
	[tilespmem:$0xC200] =	vst v63  }
0x143: {  	_ =	swait.ge [sflag:s10], $0x6000  }
0x144: {  	[sflag:s10] =	ssyncset.done $0x0  }
0x145: {  	[sflag:s10] =	ssyncadd.s32 $0xFFFFA000  }
0x146: {  	_ =	swait.ge [sflag:s10], $0x40  }
0x147: {  	[sflag:s10] =	ssyncset.done $0x0  }
0x148: {  	[sflag:s10] =	ssyncadd.s32 $0xFFFFFFC0  }
0x149: {  	_ =	swait.ge [sflag:s10], $0x40  }
0x14a: {  	[sflag:s10] =	ssyncset.done $0x0  }
0x14b: {  	[sflag:s10] =	ssyncadd.s32 $0xFFFFFFC0  }
0x14c: {  	_ =	swait.ge [sflag:s30], $0x6000  }
0x14d: {  	[sflag:s30] =	ssyncset.done $0x0  }
0x14e: {  	[sflag:s30] =	ssyncadd.s32 $0xFFFFA000  }
0x14f: {  	_ =	swait.ge [sflag:s30], $0x6000  }
0x150: {  	[sflag:s30] =	ssyncset.done $0x0  }
0x151: {  	[sflag:s30] =	ssyncadd.s32 $0xFFFFA000  }
0x152: {  	v3 =	vld [tilespmem:$0xC000];
	_ =	sdelay $0x4  }
0x153: {  	v48 =	vshrl.u32 v3, $0x3  }
0x154: {  	v4 =	vmul.u32 $0x18, v48  }
0x155: {  	v3 =	vand.u32 $0x7, v3  }
0x156: {  	v3 =	vor.u32 v3, v4  }
0x157: {  	v4 =	vperm.xlane v3, v0;
	_ =	sdelay $0x1  }
0x158: {  	v4 =	vadd.s32 v1, v4;
	_ =	sdelay $0x1  }
0x159: {  	v3 =	vperm.xlane v3, v2;
	_ =	sdelay $0x1  }
0x15a: {  	v3 =	vadd.s32 v1, v3  }
0x15b: {  	[hbm4b:s3+s2] =	stream.indirect_vreg.scatter [tilespmem:s2], [sflag:$0x2], $0x80, v4, vm0, $0xb8;
	[tilespmem:$0xC200] =	vst v63  }
0x15c: {  	s8 =	simm.s32 $0x800  }
0x15d: {  	[hbm4b:s6+s2] =	stream.indirect_vreg.scatter [tilespmem:s8], [sflag:$0x2], $0x80, v4, vm1, $0xb8;
	[tilespmem:$0xC200] =	vst v63  }
0x15e: {  	_ = 	snop  }
0x15f: {  	[hbm4b:s3+s2] =	stream.indirect_vreg.scatter [tilespmem:s22], [sflag:$0x2], $0x80, v3, vm0, $0xb8;
	[tilespmem:$0xC200] =	vst v63  }
0x160: {  	_ = 	snop  }
0x161: {  	[hbm4b:s6+s2] =	stream.indirect_vreg.scatter [tilespmem:s23], [sflag:$0x2], $0x80, v3, vm1, $0xb8;
	[tilespmem:$0xC200] =	vst v63  }
0x162: {  	v3 =	vld [tilespmem:$0xC010];
	_ =	sdelay $0x4  }
0x163: {  	v49 =	vshrl.u32 v3, $0x3  }
0x164: {  	v4 =	vmul.u32 $0x18, v49  }
0x165: {  	v3 =	vand.u32 $0x7, v3  }
0x166: {  	v3 =	vor.u32 v3, v4  }
0x167: {  	v4 =	vperm.xlane v3, v0;
	_ =	sdelay $0x1  }
0x168: {  	v4 =	vadd.s32 v1, v4;
	_ =	sdelay $0x1  }
0x169: {  	v3 =	vperm.xlane v3, v2;
	_ =	sdelay $0x1  }
0x16a: {  	v3 =	vadd.s32 v1, v3  }
0x16b: {  	[hbm4b:s3+s2] =	stream.indirect_vreg.scatter [tilespmem:s24], [sflag:$0x2], $0x80, v4, vm0, $0xb8;
	[tilespmem:$0xC200] =	vst v63  }
0x16c: {  	_ = 	snop  }
0x16d: {  	[hbm4b:s6+s2] =	stream.indirect_vreg.scatter [tilespmem:s25], [sflag:$0x2], $0x80, v4, vm1, $0xb8;
	[tilespmem:$0xC200] =	vst v63  }
0x16e: {  	_ = 	snop  }
0x16f: {  	[hbm4b:s3+s2] =	stream.indirect_vreg.scatter [tilespmem:s31], [sflag:$0x2], $0x80, v3, vm0, $0xb8;
	[tilespmem:$0xC200] =	vst v63  }
0x170: {  	s13 =	simm.s32 $0x2C00  }
0x171: {  	[hbm4b:s6+s2] =	stream.indirect_vreg.scatter [tilespmem:s13], [sflag:$0x2], $0x80, v3, vm1, $0xb8;
	[tilespmem:$0xC200] =	vst v63  }
0x172: {  	v3 =	vld [tilespmem:$0xC020];
	_ =	sdelay $0x4  }
0x173: {  	v50 =	vshrl.u32 v3, $0x3  }
0x174: {  	v4 =	vmul.u32 $0x18, v50  }
0x175: {  	v3 =	vand.u32 $0x7, v3  }
0x176: {  	v3 =	vor.u32 v3, v4  }
0x177: {  	v4 =	vperm.xlane v3, v0;
	_ =	sdelay $0x1  }
0x178: {  	v4 =	vadd.s32 v1, v4;
	_ =	sdelay $0x1  }
0x179: {  	v3 =	vperm.xlane v3, v2;
	_ =	sdelay $0x1  }
0x17a: {  	s14 =	simm.s32 $0x3000;
	v3 =	vadd.s32 v1, v3  }
0x17b: {  	[hbm4b:s3+s2] =	stream.indirect_vreg.scatter [tilespmem:s14], [sflag:$0x2], $0x80, v4, vm0, $0xb8;
	[tilespmem:$0xC200] =	vst v63  }
0x17c: {  	s15 =	simm.s32 $0x3800  }
0x17d: {  	[hbm4b:s6+s2] =	stream.indirect_vreg.scatter [tilespmem:s15], [sflag:$0x2], $0x80, v4, vm1, $0xb8;
	[tilespmem:$0xC200] =	vst v63  }
0x17e: {  	s16 =	simm.s32 $0x3C00  }
0x17f: {  	[hbm4b:s3+s2] =	stream.indirect_vreg.scatter [tilespmem:s16], [sflag:$0x2], $0x80, v3, vm0, $0xb8;
	[tilespmem:$0xC200] =	vst v63  }
0x180: {  	s17 =	simm.s32 $0x4400  }
0x181: {  	[hbm4b:s6+s2] =	stream.indirect_vreg.scatter [tilespmem:s17], [sflag:$0x2], $0x80, v3, vm1, $0xb8;
	[tilespmem:$0xC200] =	vst v63  }
0x182: {  	v3 =	vld [tilespmem:$0xC030];
	_ =	sdelay $0x4  }
0x183: {  	v51 =	vshrl.u32 v3, $0x3  }
0x184: {  	v4 =	vmul.u32 $0x18, v51  }
0x185: {  	v3 =	vand.u32 $0x7, v3  }
0x186: {  	v3 =	vor.u32 v3, v4  }
0x187: {  	v4 =	vperm.xlane v3, v0;
	_ =	sdelay $0x1  }
0x188: {  	v4 =	vadd.s32 v1, v4;
	_ =	sdelay $0x1  }
0x189: {  	v3 =	vperm.xlane v3, v2;
	_ =	sdelay $0x1  }
0x18a: {  	v3 =	vadd.s32 v1, v3  }
0x18b: {  	[hbm4b:s3+s2] =	stream.indirect_vreg.scatter [tilespmem:s9], [sflag:$0x2], $0x80, v4, vm0, $0xb8;
	[tilespmem:$0xC200] =	vst v63  }
0x18c: {  	_ = 	snop  }
0x18d: {  	[hbm4b:s6+s2] =	stream.indirect_vreg.scatter [tilespmem:s28], [sflag:$0x2], $0x80, v4, vm1, $0xb8;
	[tilespmem:$0xC200] =	vst v63  }
0x18e: {  	_ = 	snop  }
0x18f: {  	[hbm4b:s3+s2] =	stream.indirect_vreg.scatter [tilespmem:s29], [sflag:$0x2], $0x80, v3, vm0, $0xb8;
	[tilespmem:$0xC200] =	vst v63  }
0x190: {  	s18 =	simm.s32 $0x5C00  }
0x191: {  	[hbm4b:s6+s2] =	stream.indirect_vreg.scatter [tilespmem:s18], [sflag:$0x2], $0x80, v3, vm1, $0xb8;
	[tilespmem:$0xC200] =	vst v63  }
0x192: {  	v3 =	vld [tilespmem:$0xC100];
	_ =	sdelay $0x4  }
0x193: {  	v52 =	vshrl.u32 v3, $0x3  }
0x194: {  	v4 =	vmul.u32 $0x18, v52  }
0x195: {  	v3 =	vand.u32 $0x7, v3  }
0x196: {  	v3 =	vor.u32 v3, v4  }
0x197: {  	v4 =	vperm.xlane v3, v0;
	_ =	sdelay $0x1  }
0x198: {  	v4 =	vadd.s32 v1, v4;
	_ =	sdelay $0x1  }
0x199: {  	v3 =	vperm.xlane v3, v2;
	_ =	sdelay $0x1  }
0x19a: {  	v3 =	vadd.s32 v1, v3  }
0x19b: {  	[hbm4b:s3+s2] =	stream.indirect_vreg.scatter [tilespmem:s2], [sflag:$0x2], $0x80, v4, vm0, $0xb8;
	[tilespmem:$0xC200] =	vst v63  }
0x19c: {  	_ = 	snop  }
0x19d: {  	[hbm4b:s6+s2] =	stream.indirect_vreg.scatter [tilespmem:s8], [sflag:$0x2], $0x80, v4, vm1, $0xb8;
	[tilespmem:$0xC200] =	vst v63  }
0x19e: {  	_ = 	snop  }
0x19f: {  	[hbm4b:s3+s2] =	stream.indirect_vreg.scatter [tilespmem:s22], [sflag:$0x2], $0x80, v3, vm0, $0xb8;
	[tilespmem:$0xC200] =	vst v63  }
0x1a0: {  	_ = 	snop  }
0x1a1: {  	[hbm4b:s6+s2] =	stream.indirect_vreg.scatter [tilespmem:s23], [sflag:$0x2], $0x80, v3, vm1, $0xb8;
	[tilespmem:$0xC200] =	vst v63  }
0x1a2: {  	v3 =	vld [tilespmem:$0xC110];
	_ =	sdelay $0x4  }
0x1a3: {  	v53 =	vshrl.u32 v3, $0x3  }
0x1a4: {  	v4 =	vmul.u32 $0x18, v53  }
0x1a5: {  	v3 =	vand.u32 $0x7, v3  }
0x1a6: {  	v3 =	vor.u32 v3, v4  }
0x1a7: {  	v4 =	vperm.xlane v3, v0;
	_ =	sdelay $0x1  }
0x1a8: {  	v4 =	vadd.s32 v1, v4;
	_ =	sdelay $0x1  }
0x1a9: {  	v3 =	vperm.xlane v3, v2;
	_ =	sdelay $0x1  }
0x1aa: {  	v3 =	vadd.s32 v1, v3  }
0x1ab: {  	[hbm4b:s3+s2] =	stream.indirect_vreg.scatter [tilespmem:s24], [sflag:$0x2], $0x80, v4, vm0, $0xb8;
	[tilespmem:$0xC200] =	vst v63  }
0x1ac: {  	_ = 	snop  }
0x1ad: {  	[hbm4b:s6+s2] =	stream.indirect_vreg.scatter [tilespmem:s25], [sflag:$0x2], $0x80, v4, vm1, $0xb8;
	[tilespmem:$0xC200] =	vst v63  }
0x1ae: {  	_ = 	snop  }
0x1af: {  	[hbm4b:s3+s2] =	stream.indirect_vreg.scatter [tilespmem:s31], [sflag:$0x2], $0x80, v3, vm0, $0xb8;
	[tilespmem:$0xC200] =	vst v63  }
0x1b0: {  	_ = 	snop  }
0x1b1: {  	[hbm4b:s6+s2] =	stream.indirect_vreg.scatter [tilespmem:s13], [sflag:$0x2], $0x80, v3, vm1, $0xb8;
	[tilespmem:$0xC200] =	vst v63  }
0x1b2: {  	v3 =	vld [tilespmem:$0xC120];
	_ =	sdelay $0x4  }
0x1b3: {  	v54 =	vshrl.u32 v3, $0x3  }
0x1b4: {  	v4 =	vmul.u32 $0x18, v54  }
0x1b5: {  	v3 =	vand.u32 $0x7, v3  }
0x1b6: {  	v3 =	vor.u32 v3, v4  }
0x1b7: {  	v4 =	vperm.xlane v3, v0;
	_ =	sdelay $0x1  }
0x1b8: {  	v4 =	vadd.s32 v1, v4;
	_ =	sdelay $0x1  }
0x1b9: {  	v3 =	vperm.xlane v3, v2;
	_ =	sdelay $0x1  }
0x1ba: {  	v3 =	vadd.s32 v1, v3  }
0x1bb: {  	[hbm4b:s3+s2] =	stream.indirect_vreg.scatter [tilespmem:s14], [sflag:$0x2], $0x80, v4, vm0, $0xb8;
	[tilespmem:$0xC200] =	vst v63  }
0x1bc: {  	_ = 	snop  }
0x1bd: {  	[hbm4b:s6+s2] =	stream.indirect_vreg.scatter [tilespmem:s15], [sflag:$0x2], $0x80, v4, vm1, $0xb8;
	[tilespmem:$0xC200] =	vst v63  }
0x1be: {  	_ = 	snop  }
0x1bf: {  	[hbm4b:s3+s2] =	stream.indirect_vreg.scatter [tilespmem:s16], [sflag:$0x2], $0x80, v3, vm0, $0xb8;
	[tilespmem:$0xC200] =	vst v63  }
0x1c0: {  	_ = 	snop  }
0x1c1: {  	[hbm4b:s6+s2] =	stream.indirect_vreg.scatter [tilespmem:s17], [sflag:$0x2], $0x80, v3, vm1, $0xb8;
	[tilespmem:$0xC200] =	vst v63  }
0x1c2: {  	v3 =	vld [tilespmem:$0xC130];
	_ =	sdelay $0x4  }
0x1c3: {  	v55 =	vshrl.u32 v3, $0x3  }
0x1c4: {  	v4 =	vmul.u32 $0x18, v55  }
0x1c5: {  	v3 =	vand.u32 $0x7, v3  }
0x1c6: {  	v3 =	vor.u32 v3, v4  }
0x1c7: {  	v4 =	vperm.xlane v3, v0;
	_ =	sdelay $0x1  }
0x1c8: {  	v4 =	vadd.s32 v1, v4;
	_ =	sdelay $0x1  }
0x1c9: {  	v3 =	vperm.xlane v3, v2;
	_ =	sdelay $0x1  }
0x1ca: {  	v3 =	vadd.s32 v1, v3  }
0x1cb: {  	[hbm4b:s3+s2] =	stream.indirect_vreg.scatter [tilespmem:s9], [sflag:$0x2], $0x80, v4, vm0, $0xb8;
	[tilespmem:$0xC200] =	vst v63  }
0x1cc: {  	_ = 	snop  }
0x1cd: {  	[hbm4b:s6+s2] =	stream.indirect_vreg.scatter [tilespmem:s28], [sflag:$0x2], $0x80, v4, vm1, $0xb8;
	[tilespmem:$0xC200] =	vst v63  }
0x1ce: {  	_ = 	snop  }
0x1cf: {  	[hbm4b:s3+s2] =	stream.indirect_vreg.scatter [tilespmem:s29], [sflag:$0x2], $0x80, v3, vm0, $0xb8;
	[tilespmem:$0xC200] =	vst v63  }
0x1d0: {  	_ = 	snop  }
0x1d1: {  	[hbm4b:s6+s2] =	stream.indirect_vreg.scatter [tilespmem:s18], [sflag:$0x2], $0x80, v3, vm1, $0xb8;
	[tilespmem:$0xC200] =	vst v63  }
0x1d2: {  	s13 =	rddreg [dreg:$0xa]  }
0x1d3: {  	[tilespmem:s12], [sflag:$0x1] =	stream.linear.gather [hbm4b:s13+s2], $0x6000, $0x38;
	[tilespmem:$0xC200] =	vst v63  }
0x1d4: {  	s14 =	rddreg [dreg:$0xb];
	s16 =	simm.s32 $0xC080  }
0x1d5: {  	[tilespmem:s16], [sflag:$0x1] =	stream.linear.gather [hbm4b:s14+s2], $0x40, $0x38;
	[tilespmem:$0xC200] =	vst v63  }
0x1d6: {  	s15 =	rddreg [dreg:$0xc];
	s18 =	simm.s32 $0xC180  }
0x1d7: {  	[tilespmem:s18], [sflag:$0x1] =	stream.linear.gather [hbm4b:s15+s2], $0x40, $0x38;
	[tilespmem:$0xC200] =	vst v63  }
0x1d8: {  	_ =	swait.ge [sflag:s10], $0x6000  }
0x1d9: {  	[sflag:s10] =	ssyncset.done $0x0  }
0x1da: {  	[sflag:s10] =	ssyncadd.s32 $0xFFFFA000  }
0x1db: {  	_ =	swait.ge [sflag:s10], $0x40  }
0x1dc: {  	[sflag:s10] =	ssyncset.done $0x0  }
0x1dd: {  	[sflag:s10] =	ssyncadd.s32 $0xFFFFFFC0  }
0x1de: {  	_ =	swait.ge [sflag:s10], $0x40  }
0x1df: {  	[sflag:s10] =	ssyncset.done $0x0  }
0x1e0: {  	[sflag:s10] =	ssyncadd.s32 $0xFFFFFFC0  }
0x1e1: {  	_ =	swait.ge [sflag:s30], $0x6000  }
0x1e2: {  	[sflag:s30] =	ssyncset.done $0x0  }
0x1e3: {  	[sflag:s30] =	ssyncadd.s32 $0xFFFFA000  }
0x1e4: {  	_ =	swait.ge [sflag:s30], $0x6000  }
0x1e5: {  	[sflag:s30] =	ssyncset.done $0x0  }
0x1e6: {  	[sflag:s30] =	ssyncadd.s32 $0xFFFFA000  }
0x1e7: {  	v3 =	vld [tilespmem:$0xC080];
	_ =	sdelay $0x4  }
0x1e8: {  	v56 =	vshrl.u32 v3, $0x3  }
0x1e9: {  	v4 =	vmul.u32 $0x18, v56  }
0x1ea: {  	v3 =	vand.u32 $0x7, v3  }
0x1eb: {  	v3 =	vor.u32 v3, v4  }
0x1ec: {  	v4 =	vperm.xlane v3, v0;
	_ =	sdelay $0x1  }
0x1ed: {  	v4 =	vadd.s32 v1, v4;
	_ =	sdelay $0x1  }
0x1ee: {  	v3 =	vperm.xlane v3, v2;
	_ =	sdelay $0x1  }
0x1ef: {  	v3 =	vadd.s32 v1, v3  }
0x1f0: {  	[hbm4b:s3+s2] =	stream.indirect_vreg.scatter [tilespmem:s12], [sflag:$0x2], $0x80, v4, vm0, $0xb8;
	[tilespmem:$0xC200] =	vst v63  }
0x1f1: {  	s14 =	simm.s32 $0x6800  }
0x1f2: {  	[hbm4b:s6+s2] =	stream.indirect_vreg.scatter [tilespmem:s14], [sflag:$0x2], $0x80, v4, vm1, $0xb8;
	[tilespmem:$0xC200] =	vst v63  }
0x1f3: {  	s15 =	simm.s32 $0x6C00  }
0x1f4: {  	[hbm4b:s3+s2] =	stream.indirect_vreg.scatter [tilespmem:s15], [sflag:$0x2], $0x80, v3, vm0, $0xb8;
	[tilespmem:$0xC200] =	vst v63  }
0x1f5: {  	s16 =	simm.s32 $0x7400  }
0x1f6: {  	[hbm4b:s6+s2] =	stream.indirect_vreg.scatter [tilespmem:s16], [sflag:$0x2], $0x80, v3, vm1, $0xb8;
	[tilespmem:$0xC200] =	vst v63  }
0x1f7: {  	v3 =	vld [tilespmem:$0xC090];
	_ =	sdelay $0x4  }
0x1f8: {  	v57 =	vshrl.u32 v3, $0x3  }
0x1f9: {  	v4 =	vmul.u32 $0x18, v57  }
0x1fa: {  	v3 =	vand.u32 $0x7, v3  }
0x1fb: {  	v3 =	vor.u32 v3, v4  }
0x1fc: {  	v4 =	vperm.xlane v3, v0;
	_ =	sdelay $0x1  }
0x1fd: {  	v4 =	vadd.s32 v1, v4;
	_ =	sdelay $0x1  }
0x1fe: {  	v3 =	vperm.xlane v3, v2;
	_ =	sdelay $0x1  }
0x1ff: {  	v3 =	vadd.s32 v1, v3  }
0x200: {  	[hbm4b:s3+s2] =	stream.indirect_vreg.scatter [tilespmem:s26], [sflag:$0x2], $0x80, v4, vm0, $0xb8;
	[tilespmem:$0xC200] =	vst v63  }
0x201: {  	s11 =	simm.s32 $0x8000  }
0x202: {  	[hbm4b:s6+s2] =	stream.indirect_vreg.scatter [tilespmem:s11], [sflag:$0x2], $0x80, v4, vm1, $0xb8;
	[tilespmem:$0xC200] =	vst v63  }
0x203: {  	s13 =	simm.s32 $0x8400  }
0x204: {  	[hbm4b:s3+s2] =	stream.indirect_vreg.scatter [tilespmem:s13], [sflag:$0x2], $0x80, v3, vm0, $0xb8;
	[tilespmem:$0xC200] =	vst v63  }
0x205: {  	s17 =	simm.s32 $0x8C00  }
0x206: {  	[hbm4b:s6+s2] =	stream.indirect_vreg.scatter [tilespmem:s17], [sflag:$0x2], $0x80, v3, vm1, $0xb8;
	[tilespmem:$0xC200] =	vst v63  }
0x207: {  	v3 =	vld [tilespmem:$0xC0A0];
	_ =	sdelay $0x4  }
0x208: {  	v58 =	vshrl.u32 v3, $0x3  }
0x209: {  	v4 =	vmul.u32 $0x18, v58  }
0x20a: {  	v3 =	vand.u32 $0x7, v3  }
0x20b: {  	v3 =	vor.u32 v3, v4  }
0x20c: {  	v4 =	vperm.xlane v3, v0;
	_ =	sdelay $0x1  }
0x20d: {  	v4 =	vadd.s32 v1, v4;
	_ =	sdelay $0x1  }
0x20e: {  	v3 =	vperm.xlane v3, v2;
	_ =	sdelay $0x1  }
0x20f: {  	s18 =	simm.s32 $0x9000;
	v3 =	vadd.s32 v1, v3  }
0x210: {  	[hbm4b:s3+s2] =	stream.indirect_vreg.scatter [tilespmem:s18], [sflag:$0x2], $0x80, v4, vm0, $0xb8;
	[tilespmem:$0xC200] =	vst v63  }
0x211: {  	s1 =	simm.s32 $0x9800  }
0x212: {  	[hbm4b:s6+s2] =	stream.indirect_vreg.scatter [tilespmem:s1], [sflag:$0x2], $0x80, v4, vm1, $0xb8;
	[tilespmem:$0xC200] =	vst v63  }
0x213: {  	s0 =	simm.s32 $0x9C00  }
0x214: {  	[hbm4b:s3+s2] =	stream.indirect_vreg.scatter [tilespmem:s0], [sflag:$0x2], $0x80, v3, vm0, $0xb8;
	[tilespmem:$0xC200] =	vst v63  }
0x215: {  	s7 =	simm.s32 $0xA400  }
0x216: {  	[hbm4b:s6+s2] =	stream.indirect_vreg.scatter [tilespmem:s7], [sflag:$0x2], $0x80, v3, vm1, $0xb8;
	[tilespmem:$0xC200] =	vst v63  }
0x217: {  	v3 =	vld [tilespmem:$0xC0B0];
	_ =	sdelay $0x4  }
0x218: {  	v59 =	vshrl.u32 v3, $0x3  }
0x219: {  	v4 =	vmul.u32 $0x18, v59  }
0x21a: {  	v3 =	vand.u32 $0x7, v3  }
0x21b: {  	v3 =	vor.u32 v3, v4  }
0x21c: {  	v4 =	vperm.xlane v3, v0;
	_ =	sdelay $0x1  }
0x21d: {  	v4 =	vadd.s32 v1, v4;
	_ =	sdelay $0x1  }
0x21e: {  	v3 =	vperm.xlane v3, v2;
	_ =	sdelay $0x1  }
0x21f: {  	s5 =	simm.s32 $0xA800;
	v3 =	vadd.s32 v1, v3  }
0x220: {  	[hbm4b:s3+s2] =	stream.indirect_vreg.scatter [tilespmem:s5], [sflag:$0x2], $0x80, v4, vm0, $0xb8;
	[tilespmem:$0xC200] =	vst v63  }
0x221: {  	s4 =	simm.s32 $0xB000  }
0x222: {  	[hbm4b:s6+s2] =	stream.indirect_vreg.scatter [tilespmem:s4], [sflag:$0x2], $0x80, v4, vm1, $0xb8;
	[tilespmem:$0xC200] =	vst v63  }
0x223: {  	s9 =	simm.s32 $0xB400  }
0x224: {  	[hbm4b:s3+s2] =	stream.indirect_vreg.scatter [tilespmem:s9], [sflag:$0x2], $0x80, v3, vm0, $0xb8;
	[tilespmem:$0xC200] =	vst v63  }
0x225: {  	s8 =	simm.s32 $0xBC00  }
0x226: {  	[hbm4b:s6+s2] =	stream.indirect_vreg.scatter [tilespmem:s8], [sflag:$0x2], $0x80, v3, vm1, $0xb8;
	[tilespmem:$0xC200] =	vst v63  }
0x227: {  	v3 =	vld [tilespmem:$0xC180];
	_ =	sdelay $0x4  }
0x228: {  	v60 =	vshrl.u32 v3, $0x3  }
0x229: {  	v4 =	vmul.u32 $0x18, v60  }
0x22a: {  	v3 =	vand.u32 $0x7, v3  }
0x22b: {  	v3 =	vor.u32 v3, v4  }
0x22c: {  	v4 =	vperm.xlane v3, v0;
	_ =	sdelay $0x1  }
0x22d: {  	v4 =	vadd.s32 v1, v4;
	_ =	sdelay $0x1  }
0x22e: {  	v3 =	vperm.xlane v3, v2;
	_ =	sdelay $0x1  }
0x22f: {  	v3 =	vadd.s32 v1, v3  }
0x230: {  	[hbm4b:s3+s2] =	stream.indirect_vreg.scatter [tilespmem:s12], [sflag:$0x2], $0x80, v4, vm0, $0xb8;
	[tilespmem:$0xC200] =	vst v63  }
0x231: {  	_ = 	snop  }
0x232: {  	[hbm4b:s6+s2] =	stream.indirect_vreg.scatter [tilespmem:s14], [sflag:$0x2], $0x80, v4, vm1, $0xb8;
	[tilespmem:$0xC200] =	vst v63  }
0x233: {  	_ = 	snop  }
0x234: {  	[hbm4b:s3+s2] =	stream.indirect_vreg.scatter [tilespmem:s15], [sflag:$0x2], $0x80, v3, vm0, $0xb8;
	[tilespmem:$0xC200] =	vst v63  }
0x235: {  	_ = 	snop  }
0x236: {  	[hbm4b:s6+s2] =	stream.indirect_vreg.scatter [tilespmem:s16], [sflag:$0x2], $0x80, v3, vm1, $0xb8;
	[tilespmem:$0xC200] =	vst v63  }
0x237: {  	v3 =	vld [tilespmem:$0xC190];
	_ =	sdelay $0x4  }
0x238: {  	v61 =	vshrl.u32 v3, $0x3  }
0x239: {  	v4 =	vmul.u32 $0x18, v61  }
0x23a: {  	v3 =	vand.u32 $0x7, v3  }
0x23b: {  	v3 =	vor.u32 v3, v4  }
0x23c: {  	v4 =	vperm.xlane v3, v0;
	_ =	sdelay $0x1  }
0x23d: {  	v4 =	vadd.s32 v1, v4;
	_ =	sdelay $0x1  }
0x23e: {  	v3 =	vperm.xlane v3, v2;
	_ =	sdelay $0x1  }
0x23f: {  	v3 =	vadd.s32 v1, v3  }
0x240: {  	[hbm4b:s3+s2] =	stream.indirect_vreg.scatter [tilespmem:s26], [sflag:$0x2], $0x80, v4, vm0, $0xb8;
	[tilespmem:$0xC200] =	vst v63  }
0x241: {  	_ = 	snop  }
0x242: {  	[hbm4b:s6+s2] =	stream.indirect_vreg.scatter [tilespmem:s11], [sflag:$0x2], $0x80, v4, vm1, $0xb8;
	[tilespmem:$0xC200] =	vst v63  }
0x243: {  	_ = 	snop  }
0x244: {  	[hbm4b:s3+s2] =	stream.indirect_vreg.scatter [tilespmem:s13], [sflag:$0x2], $0x80, v3, vm0, $0xb8;
	[tilespmem:$0xC200] =	vst v63  }
0x245: {  	_ = 	snop  }
0x246: {  	[hbm4b:s6+s2] =	stream.indirect_vreg.scatter [tilespmem:s17], [sflag:$0x2], $0x80, v3, vm1, $0xb8;
	[tilespmem:$0xC200] =	vst v63  }
0x247: {  	v3 =	vld [tilespmem:$0xC1A0];
	_ =	sdelay $0x4  }
0x248: {  	v62 =	vshrl.u32 v3, $0x3  }
0x249: {  	v4 =	vmul.u32 $0x18, v62  }
0x24a: {  	v3 =	vand.u32 $0x7, v3  }
0x24b: {  	v3 =	vor.u32 v3, v4  }
0x24c: {  	v4 =	vperm.xlane v3, v0;
	_ =	sdelay $0x1  }
0x24d: {  	v4 =	vadd.s32 v1, v4;
	_ =	sdelay $0x1  }
0x24e: {  	v3 =	vperm.xlane v3, v2;
	_ =	sdelay $0x1  }
0x24f: {  	v3 =	vadd.s32 v1, v3  }
0x250: {  	[hbm4b:s3+s2] =	stream.indirect_vreg.scatter [tilespmem:s18], [sflag:$0x2], $0x80, v4, vm0, $0xb8;
	[tilespmem:$0xC200] =	vst v63  }
0x251: {  	_ = 	snop  }
0x252: {  	[hbm4b:s6+s2] =	stream.indirect_vreg.scatter [tilespmem:s1], [sflag:$0x2], $0x80, v4, vm1, $0xb8;
	[tilespmem:$0xC200] =	vst v63  }
0x253: {  	_ = 	snop  }
0x254: {  	[hbm4b:s3+s2] =	stream.indirect_vreg.scatter [tilespmem:s0], [sflag:$0x2], $0x80, v3, vm0, $0xb8;
	[tilespmem:$0xC200] =	vst v63  }
0x255: {  	_ = 	snop  }
0x256: {  	[hbm4b:s6+s2] =	stream.indirect_vreg.scatter [tilespmem:s7], [sflag:$0x2], $0x80, v3, vm1, $0xb8;
	[tilespmem:$0xC200] =	vst v63  }
0x257: {  	v3 =	vld [tilespmem:$0xC1B0];
	_ =	sdelay $0x4  }
0x258: {  	v63 =	vshrl.u32 v3, $0x3  }
0x259: {  	v4 =	vmul.u32 $0x18, v63  }
0x25a: {  	v3 =	vand.u32 $0x7, v3  }
0x25b: {  	v3 =	vor.u32 v3, v4  }
0x25c: {  	v4 =	vperm.xlane v3, v0;
	_ =	sdelay $0x1  }
0x25d: {  	v4 =	vadd.s32 v1, v4;
	_ =	sdelay $0x1  }
0x25e: {  	v3 =	vperm.xlane v3, v2;
	_ =	sdelay $0x1  }
0x25f: {  	v3 =	vadd.s32 v1, v3  }
0x260: {  	[hbm4b:s3+s2] =	stream.indirect_vreg.scatter [tilespmem:s5], [sflag:$0x2], $0x80, v4, vm0, $0xb8;
	[tilespmem:$0xC200] =	vst v63  }
0x261: {  	_ = 	snop  }
0x262: {  	[hbm4b:s6+s2] =	stream.indirect_vreg.scatter [tilespmem:s4], [sflag:$0x2], $0x80, v4, vm1, $0xb8;
	[tilespmem:$0xC200] =	vst v63  }
0x263: {  	_ = 	snop  }
0x264: {  	[hbm4b:s3+s2] =	stream.indirect_vreg.scatter [tilespmem:s9], [sflag:$0x2], $0x80, v3, vm0, $0xb8;
	[tilespmem:$0xC200] =	vst v63  }
0x265: {  	_ = 	snop  }
0x266: {  	[hbm4b:s6+s2] =	stream.indirect_vreg.scatter [tilespmem:s8], [sflag:$0x2], $0x80, v3, vm1, $0xb8;
	[tilespmem:$0xC200] =	vst v63  }
0x267: {  	p0 =	sne.s32 s21, $0x1;
	_ =	swait.ge [sflag:s30], $0x6000  }
.Ltmp0:
0x268: {  	[sflag:s30] =	ssyncset.done $0x0;
	(pc) =	sbr.rel @p0 .LBB2_1-.Ltmp0, $4  }
0x269: {  	[sflag:s30] =	ssyncadd.s32 $0xFFFFA000  }
0x26a: {  	_ =	swait.ge [sflag:s30], $0x6000  }
0x26b: {  	[sflag:s30] =	ssyncset.done $0x0  }
0x26c: {  	s21 =	sadd.s32 $0xFFFFFFFF, s21;
	[sflag:s30] =	ssyncadd.s32 $0xFFFFA000  }
0x26d: {  	_ =	sfence.sel $0x180000  }
0x26e: {  	[bflag:$0x0] =	sbarrier.arrive $0xFFFF  }
0x26f: {  	_ =	strace $0x90000047  }
0x270: {  	s0 =	stileid.u32;
	[bflag:$0x2] =	sbarrier.arrive $0xFFFF  }
0x271: {  	p0 =	sne.s32 s0, $0x0;
	s0 =	rddreg [dreg:$0x2]  }
0x272: {  	s0 =	sadd.s32 @!p0 $0x100000, s0  }
0x273: {  	[sflag:s0] =	ssyncadd.tile.s32 @!p0 $0x1;
	_ =	shalt  }
.Lfunc_end2:
_tile_overlayer_lowered:
.L_overlay_start_2:
0x274: {  	(tag) =	ssettag $0x2  }
0x275: {  	s0 =	rddreg [dreg:$0x0];
	s2 =	stileid.u32  }
0x276: {  	s1 =	rddreg [dreg:$0x1];
	p0 =	sne.s32 s2, $0x0  }
0x277: {  	s3 =	rddreg [dreg:$0x2];
	[bflag:$0x3] =	sbarrier.arrive $0xFFFF;
	s2 =	simm.s32 @!p0 $0x1C03  }
0x278: {  	[timem:s3], [sflag:s2] =	dma.local @!p0 [hbm:s0], s1  }
0x279: {  	s0 =	simm.s32 @!p0 $0x3  }
0x27a: {  	_ =	swait.ge @!p0 [sflag:s0], s1  }
0x27b: {  	s1 =	ssub.s32 @!p0 $0x0, s1;
	[sflag:s0] =	ssyncset.done @!p0 $0x0  }
0x27c: {  	[sflag:s0] =	ssyncadd.s32 @!p0 s1  }
0x27d: {  	[bflag:$0x3] =	sbarrier.arrive $0xFFFF  }
0x27e: {  	_ =	shalt  }

</sc_bundles>
